<compile_context>
chip_gen: v7x
topology: tpu7x:2x2x1
jax: 0.10.2.dev20260603
libtpu: 0.0.44.dev20260713+nightly
codegen_flags: <defaults>
</compile_context>

<pallas_src>
import jax
import jax.numpy as jnp
from jax import lax
from jax.experimental import pallas as pl
from jax.experimental.pallas import tpu as pltpu
from jax.experimental.pallas import tpu_sc as plsc

C = 32
D, H, W = 64, 128, 128
DHW = D * H * W


def _sc_body(x_hbm, g_hbm, out_hbm, grid_v, idx_a, idx_b, vals_a, vals_b,
         out_v, sem):
    pltpu.sync_copy(g_hbm, grid_v.at[pl.ds(0, 3)])
    g = grid_v[...]
    l = lax.iota(jnp.int32, 16)

    scale = jnp.where(l < 2, (W - 1) / 2.0, (D - 1) / 2.0)
    t = (g + 1.0) * scale
    ub = jnp.where(l < 2, W + 1.0, D + 1.0)
    tcl = jnp.minimum(jnp.maximum(t, -2.0), ub)
    ti = tcl.astype(jnp.int32)
    tf = ti.astype(jnp.float32)
    flf = jnp.where(tf > tcl, tf - 1.0, tf)

    def bcast(v, i):
        return v.at[l * 0 + i].get(mode="promise_in_bounds")

    ix, iy, iz = bcast(tcl, 0), bcast(tcl, 1), bcast(tcl, 2)
    fx, fy, fz = bcast(flf, 0), bcast(flf, 1), bcast(flf, 2)

    dx = (l & 1).astype(jnp.float32)
    dy = ((l >> 1) & 1).astype(jnp.float32)
    dz = ((l >> 2) & 1).astype(jnp.float32)
    xi = fx + dx
    yi = fy + dy
    zi = fz + dz
    xic = jnp.minimum(jnp.maximum(xi, 0.0), W - 1.0).astype(jnp.int32)
    yic = jnp.minimum(jnp.maximum(yi, 0.0), H - 1.0).astype(jnp.int32)
    zic = jnp.minimum(jnp.maximum(zi, 0.0), D - 1.0).astype(jnp.int32)
    lin = (zic * H + yic) * W + xic

    for k in range(4):
        la = bcast(lin, k)
        lb = bcast(lin, k + 4)
        for h in range(2):
            ch = (l + h * 16) * DHW
            idx_a[pl.ds((k * 2 + h) * 16, 16)] = la + ch
            idx_b[pl.ds((k * 2 + h) * 16, 16)] = lb + ch

    cp_a = pltpu.async_copy(x_hbm.at[idx_a], vals_a, sem)
    cp_b = pltpu.async_copy(x_hbm.at[idx_b], vals_b, sem)

    wx = 1.0 - jnp.abs(ix - xi)
    wy = 1.0 - jnp.abs(iy - yi)
    wz = 1.0 - jnp.abs(iz - zi)
    m = ((xi >= 0.0) & (xi <= W - 1.0)
         & (yi >= 0.0) & (yi <= H - 1.0)
         & (zi >= 0.0) & (zi <= D - 1.0)
         & (l < 8))
    wm = jnp.where(m, wx * wy * wz, 0.0)
    wks = [bcast(wm, k) for k in range(8)]

    cp_a.wait()
    cp_b.wait()

    zero = jnp.where(l < 0, 1.0, 0.0)
    acc = [zero, zero]
    for k in range(8):
        src = vals_a if k < 4 else vals_b
        kk = k % 4
        for h in range(2):
            acc[h] = acc[h] + src[pl.ds((kk * 2 + h) * 16, 16)] * wks[k]
    out_v[pl.ds(0, 16)] = acc[0]
    out_v[pl.ds(16, 16)] = acc[1]
    pltpu.sync_copy(out_v, out_hbm)


def kernel(x, grid):
    xf = x.reshape(C * DHW)
    gf = grid.reshape(3)
    mesh = plsc.VectorSubcoreMesh(core_axis_name="c", subcore_axis_name="s", num_cores=1, num_subcores=1)
    out = pl.kernel(
        _sc_body,
        mesh=mesh,
        out_type=jax.ShapeDtypeStruct((C,), jnp.float32),
        scratch_types=[
            pltpu.VMEM((16,), jnp.float32),
            pltpu.VMEM((128,), jnp.int32),
            pltpu.VMEM((128,), jnp.int32),
            pltpu.VMEM((128,), jnp.float32),
            pltpu.VMEM((128,), jnp.float32),
            pltpu.VMEM((32,), jnp.float32),
            pltpu.SemaphoreType.DMA,
        ],
    )(xf, gf)
    return out.reshape(1, C, 1, 1, 1)

# --- scband reference (transcript-rebuilt; emitter-appended) ---
"""Pipeline reference for scband-my-model-61933428416122 (READ-ONLY COPY).

The authoritative reference and input builder live on the scoring server;
editing this copy changes nothing except your own understanding.
"""

import jax, jax.numpy as jnp
import numpy as np


def _grid_sample_3d(x, grid):
    # Faithful port of torch.grid_sampler_3d with interpolation_mode=0 (trilinear),
    # padding_mode=0 (zeros), align_corners=True.
    N, C, D, H, W = x.shape
    gD, gH, gW = grid.shape[1], grid.shape[2], grid.shape[3]
    gx = grid[..., 0]
    gy = grid[..., 1]
    gz = grid[..., 2]
    # align_corners=True unnormalization
    ix = (gx + 1.0) * (W - 1) / 2.0
    iy = (gy + 1.0) * (H - 1) / 2.0
    iz = (gz + 1.0) * (D - 1) / 2.0
    ix0 = jnp.floor(ix)
    iy0 = jnp.floor(iy)
    iz0 = jnp.floor(iz)
    x_flat = x.reshape(N, C, D * H * W)
    P = gD * gH * gW
    out = jnp.zeros((N, C, P), dtype=x.dtype)
    for dz in (0, 1):
        for dy in (0, 1):
            for dx in (0, 1):
                xi = ix0 + dx
                yi = iy0 + dy
                zi = iz0 + dz
                wx = 1.0 - jnp.abs(ix - xi)
                wy = 1.0 - jnp.abs(iy - yi)
                wz = 1.0 - jnp.abs(iz - zi)
                w = wx * wy * wz
                m = ((xi >= 0) & (xi <= W - 1)
                     & (yi >= 0) & (yi <= H - 1)
                     & (zi >= 0) & (zi <= D - 1))
                xi_c = jnp.clip(xi, 0, W - 1).astype(jnp.int32)
                yi_c = jnp.clip(yi, 0, H - 1).astype(jnp.int32)
                zi_c = jnp.clip(zi, 0, D - 1).astype(jnp.int32)
                lin = ((zi_c * H + yi_c) * W + xi_c).reshape(N, P)
                idx = jnp.broadcast_to(lin[:, None, :], (N, C, P))
                vals = jnp.take_along_axis(x_flat, idx, axis=2)
                wm = (w * m.astype(x.dtype)).reshape(N, P)
                out = out + vals * wm[:, None, :]
    return out.reshape(N, C, gD, gH, gW)


def setup_inputs(seed: int = 0) -> dict:
    key = jax.random.key(seed)
    x = jax.random.normal(key, (1, 32, 64, 128, 128), dtype=jnp.float32)
    # learned parameter self.grid, initialized to 42.0 (out of [-1,1] -> zeros padding)
    grid = jnp.full((1, 1, 1, 1, 3), 42.0, dtype=jnp.float32)
    return {"x": x, "grid": grid}


def reference(x, grid):
    return _grid_sample_3d(x, grid)

if __name__ == "__main__":
    import jax
    _d = setup_inputs()
    print(jax.jit(kernel)(*tuple(_d.values())))

</pallas_src>

<mosaic_0001>
#map = affine_map<(d0, d1) -> (0)>
module attributes {stable_mosaic.version = 14 : i64} {
  func.func @_sc_body(%arg0: i32, %arg1: i32, %arg2: memref<33554432xf32, #tpu.memory_space<hbm>>, %arg3: memref<3xf32, #tpu.memory_space<hbm>>, %arg4: memref<32xf32, #tpu.memory_space<hbm>>, %arg5: memref<16xf32, #tpu.memory_space<vmem>>, %arg6: memref<128xi32, #tpu.memory_space<vmem>>, %arg7: memref<128xi32, #tpu.memory_space<vmem>>, %arg8: memref<128xf32, #tpu.memory_space<vmem>>, %arg9: memref<128xf32, #tpu.memory_space<vmem>>, %arg10: memref<32xf32, #tpu.memory_space<vmem>>, %arg11: memref<!tpu.dma_semaphore, #tpu.memory_space<semaphore_mem>>) attributes {dimension_semantics = [#tpu.dimension_semantics<core_parallel>, #tpu.dimension_semantics<subcore_parallel>], iteration_bounds = array<i64: 1, 1>, scalar_prefetch = 0 : i64, scratch_operands = 7 : i64, tpu.core_type = #tpu.core_type<sc_vector_subcore>, window_params = [{transform_indices = #map}, {transform_indices = #map}, {transform_indices = #map}]} {
    "tpu.region"() ({
      %run_scoped3A = tpu.sem_alloc : memref<!tpu.dma_semaphore, #tpu.memory_space<semaphore_mem>>
      %dma_start3A_694 = arith.constant 0 : i32
      %dma_start3A_695 = tpu.memref_slice %arg5[%dma_start3A_694] : memref<16xf32, #tpu.memory_space<vmem>> -> memref<3xf32, #tpu.memory_space<vmem>>
      %dma_start3A_696 = arith.constant 0 : i32
      %dma_start3A_697 = tpu.memref_slice %arg5[%dma_start3A_696] : memref<16xf32, #tpu.memory_space<vmem>> -> memref<3xf32, #tpu.memory_space<vmem>>
      tpu.enqueue_dma source(%arg3 : memref<3xf32, #tpu.memory_space<hbm>>) target(%dma_start3A_697 : memref<3xf32, #tpu.memory_space<vmem>>) target_semaphore(%run_scoped3A : memref<!tpu.dma_semaphore, #tpu.memory_space<semaphore_mem>>)
      %dma_wait3A_698 = arith.constant 0 : i32
      %dma_wait3A_699 = tpu.memref_slice %arg5[%dma_wait3A_698] : memref<16xf32, #tpu.memory_space<vmem>> -> memref<3xf32, #tpu.memory_space<vmem>>
      %dma_wait3A_700 = arith.constant 0 : i32
      %dma_wait3A_701 = tpu.memref_slice %arg5[%dma_wait3A_700] : memref<16xf32, #tpu.memory_space<vmem>> -> memref<3xf32, #tpu.memory_space<vmem>>
      tpu.wait_dma2 semaphore(%run_scoped3A : memref<!tpu.dma_semaphore, #tpu.memory_space<semaphore_mem>>) src(%arg3 : memref<3xf32, #tpu.memory_space<hbm>>) dst(%dma_wait3A_701 : memref<3xf32, #tpu.memory_space<vmem>>)
      tpu.yield
    }) : () -> ()
    %get3A = arith.constant 0 : index
    %get3A_0 = tpu.vector_load %arg5[%get3A] {strides = array<i32>} : memref<16xf32, #tpu.memory_space<vmem>>, vector<16xf32>,
    %get3A_1 = vector.shape_cast %get3A_0 : vector<16xf32> to vector<16xf32>
    %iota3A = tpu.iota {dimensions = array<i32: 0>} : vector<16xi32>
    %lt3A = arith.constant 2 : i32
    %lt3A_2 = vector.broadcast %lt3A : i32 to vector<16xi32>
    %lt3A_3 = arith.cmpi slt, %iota3A, %lt3A_2 : vector<16xi32>
    %jit3A = arith.constant 6.350000e+01 : f32
    %jit3A_4 = arith.constant 3.150000e+01 : f32
    %broadcast_in_dim3A = vector.broadcast %jit3A : f32 to vector<16xf32>
    %broadcast_in_dim3A_5 = vector.broadcast %jit3A_4 : f32 to vector<16xf32>
    %select_n3A = arith.select %lt3A_3, %broadcast_in_dim3A, %broadcast_in_dim3A_5 : vector<16xi1>, vector<16xf32>
    %add3A = arith.constant 1.000000e+00 : f32
    %add3A_6 = vector.broadcast %add3A : f32 to vector<16xf32>
    %add3A_7 = arith.addf %get3A_1, %add3A_6 : vector<16xf32>
    %mul3A = arith.mulf %add3A_7, %select_n3A : vector<16xf32>
    %lt3A_8 = arith.constant 2 : i32
    %lt3A_9 = vector.broadcast %lt3A_8 : i32 to vector<16xi32>
    %lt3A_10 = arith.cmpi slt, %iota3A, %lt3A_9 : vector<16xi32>
    %jit3A_11 = arith.constant 1.290000e+02 : f32
    %jit3A_12 = arith.constant 6.500000e+01 : f32
    %broadcast_in_dim3A_13 = vector.broadcast %jit3A_11 : f32 to vector<16xf32>
    %broadcast_in_dim3A_14 = vector.broadcast %jit3A_12 : f32 to vector<16xf32>
    %select_n3A_15 = arith.select %lt3A_10, %broadcast_in_dim3A_13, %broadcast_in_dim3A_14 : vector<16xi1>, vector<16xf32>
    %max3A = arith.constant -2.000000e+00 : f32
    %max3A_16 = vector.broadcast %max3A : f32 to vector<16xf32>
    %max3A_17 = arith.maximumf %mul3A, %max3A_16 : vector<16xf32>
    %min3A = arith.minimumf %max3A_17, %select_n3A_15 : vector<16xf32>
    %convert_element_type3A = arith.fptosi %min3A : vector<16xf32> to vector<16xi32>
    %convert_element_type3A_18 = arith.sitofp %convert_element_type3A : vector<16xi32> to vector<16xf32>
    %gt3A = arith.cmpf ogt, %convert_element_type3A_18, %min3A : vector<16xf32>
    %sub3A = arith.constant 1.000000e+00 : f32
    %sub3A_19 = vector.broadcast %sub3A : f32 to vector<16xf32>
    %sub3A_20 = arith.subf %convert_element_type3A_18, %sub3A_19 : vector<16xf32>
    %select_n3A_21 = arith.select %gt3A, %sub3A_20, %convert_element_type3A_18 : vector<16xi1>, vector<16xf32>
    %mul3A_22 = arith.constant 0 : i32
    %mul3A_23 = vector.broadcast %mul3A_22 : i32 to vector<16xi32>
    %mul3A_24 = arith.muli %iota3A, %mul3A_23 : vector<16xi32>
    %add3A_25 = arith.constant 0 : i32
    %add3A_26 = vector.broadcast %add3A_25 : i32 to vector<16xi32>
    %add3A_27 = arith.addi %mul3A_24, %add3A_26 : vector<16xi32>
    %lt3A_28 = arith.constant 0 : i32
    %lt3A_29 = vector.broadcast %lt3A_28 : i32 to vector<16xi32>
    %lt3A_30 = arith.cmpi slt, %add3A_27, %lt3A_29 : vector<16xi32>
    %add3A_31 = arith.constant 16 : i32
    %add3A_32 = vector.broadcast %add3A_31 : i32 to vector<16xi32>
    %add3A_33 = arith.addi %add3A_27, %add3A_32 : vector<16xi32>
    %select_n3A_34 = arith.select %lt3A_30, %add3A_33, %add3A_27 : vector<16xi1>, vector<16xi32>
    %broadcast_in_dim3A_35 = vector.shape_cast %select_n3A_34 : vector<16xi32> to vector<16x1xi32>
    %gather3A = vector.shape_cast %broadcast_in_dim3A_35 : vector<16x1xi32> to vector<16xi32>
    %gather3A_36 = tpu.dynamic_gather %min3A[%gather3A] in [0] : vector<16xf32>, vector<16xi32> -> vector<16xf32>
    %mul3A_37 = arith.constant 0 : i32
    %mul3A_38 = vector.broadcast %mul3A_37 : i32 to vector<16xi32>
    %mul3A_39 = arith.muli %iota3A, %mul3A_38 : vector<16xi32>
    %add3A_40 = arith.constant 1 : i32
    %add3A_41 = vector.broadcast %add3A_40 : i32 to vector<16xi32>
    %add3A_42 = arith.addi %mul3A_39, %add3A_41 : vector<16xi32>
    %lt3A_43 = arith.constant 0 : i32
    %lt3A_44 = vector.broadcast %lt3A_43 : i32 to vector<16xi32>
    %lt3A_45 = arith.cmpi slt, %add3A_42, %lt3A_44 : vector<16xi32>
    %add3A_46 = arith.constant 16 : i32
    %add3A_47 = vector.broadcast %add3A_46 : i32 to vector<16xi32>
    %add3A_48 = arith.addi %add3A_42, %add3A_47 : vector<16xi32>
    %select_n3A_49 = arith.select %lt3A_45, %add3A_48, %add3A_42 : vector<16xi1>, vector<16xi32>
    %broadcast_in_dim3A_50 = vector.shape_cast %select_n3A_49 : vector<16xi32> to vector<16x1xi32>
    %gather3A_51 = vector.shape_cast %broadcast_in_dim3A_50 : vector<16x1xi32> to vector<16xi32>
    %gather3A_52 = tpu.dynamic_gather %min3A[%gather3A_51] in [0] : vector<16xf32>, vector<16xi32> -> vector<16xf32>
    %mul3A_53 = arith.constant 0 : i32
    %mul3A_54 = vector.broadcast %mul3A_53 : i32 to vector<16xi32>
    %mul3A_55 = arith.muli %iota3A, %mul3A_54 : vector<16xi32>
    %add3A_56 = arith.constant 2 : i32
    %add3A_57 = vector.broadcast %add3A_56 : i32 to vector<16xi32>
    %add3A_58 = arith.addi %mul3A_55, %add3A_57 : vector<16xi32>
    %lt3A_59 = arith.constant 0 : i32
    %lt3A_60 = vector.broadcast %lt3A_59 : i32 to vector<16xi32>
    %lt3A_61 = arith.cmpi slt, %add3A_58, %lt3A_60 : vector<16xi32>
    %add3A_62 = arith.constant 16 : i32
    %add3A_63 = vector.broadcast %add3A_62 : i32 to vector<16xi32>
    %add3A_64 = arith.addi %add3A_58, %add3A_63 : vector<16xi32>
    %select_n3A_65 = arith.select %lt3A_61, %add3A_64, %add3A_58 : vector<16xi1>, vector<16xi32>
    %broadcast_in_dim3A_66 = vector.shape_cast %select_n3A_65 : vector<16xi32> to vector<16x1xi32>
    %gather3A_67 = vector.shape_cast %broadcast_in_dim3A_66 : vector<16x1xi32> to vector<16xi32>
    %gather3A_68 = tpu.dynamic_gather %min3A[%gather3A_67] in [0] : vector<16xf32>, vector<16xi32> -> vector<16xf32>
    %mul3A_69 = arith.constant 0 : i32
    %mul3A_70 = vector.broadcast %mul3A_69 : i32 to vector<16xi32>
    %mul3A_71 = arith.muli %iota3A, %mul3A_70 : vector<16xi32>
    %add3A_72 = arith.constant 0 : i32
    %add3A_73 = vector.broadcast %add3A_72 : i32 to vector<16xi32>
    %add3A_74 = arith.addi %mul3A_71, %add3A_73 : vector<16xi32>
    %lt3A_75 = arith.constant 0 : i32
    %lt3A_76 = vector.broadcast %lt3A_75 : i32 to vector<16xi32>
    %lt3A_77 = arith.cmpi slt, %add3A_74, %lt3A_76 : vector<16xi32>
    %add3A_78 = arith.constant 16 : i32
    %add3A_79 = vector.broadcast %add3A_78 : i32 to vector<16xi32>
    %add3A_80 = arith.addi %add3A_74, %add3A_79 : vector<16xi32>
    %select_n3A_81 = arith.select %lt3A_77, %add3A_80, %add3A_74 : vector<16xi1>, vector<16xi32>
    %broadcast_in_dim3A_82 = vector.shape_cast %select_n3A_81 : vector<16xi32> to vector<16x1xi32>
    %gather3A_83 = vector.shape_cast %broadcast_in_dim3A_82 : vector<16x1xi32> to vector<16xi32>
    %gather3A_84 = tpu.dynamic_gather %select_n3A_21[%gather3A_83] in [0] : vector<16xf32>, vector<16xi32> -> vector<16xf32>
    %mul3A_85 = arith.constant 0 : i32
    %mul3A_86 = vector.broadcast %mul3A_85 : i32 to vector<16xi32>
    %mul3A_87 = arith.muli %iota3A, %mul3A_86 : vector<16xi32>
    %add3A_88 = arith.constant 1 : i32
    %add3A_89 = vector.broadcast %add3A_88 : i32 to vector<16xi32>
    %add3A_90 = arith.addi %mul3A_87, %add3A_89 : vector<16xi32>
    %lt3A_91 = arith.constant 0 : i32
    %lt3A_92 = vector.broadcast %lt3A_91 : i32 to vector<16xi32>
    %lt3A_93 = arith.cmpi slt, %add3A_90, %lt3A_92 : vector<16xi32>
    %add3A_94 = arith.constant 16 : i32
    %add3A_95 = vector.broadcast %add3A_94 : i32 to vector<16xi32>
    %add3A_96 = arith.addi %add3A_90, %add3A_95 : vector<16xi32>
    %select_n3A_97 = arith.select %lt3A_93, %add3A_96, %add3A_90 : vector<16xi1>, vector<16xi32>
    %broadcast_in_dim3A_98 = vector.shape_cast %select_n3A_97 : vector<16xi32> to vector<16x1xi32>
    %gather3A_99 = vector.shape_cast %broadcast_in_dim3A_98 : vector<16x1xi32> to vector<16xi32>
    %gather3A_100 = tpu.dynamic_gather %select_n3A_21[%gather3A_99] in [0] : vector<16xf32>, vector<16xi32> -> vector<16xf32>
    %mul3A_101 = arith.constant 0 : i32
    %mul3A_102 = vector.broadcast %mul3A_101 : i32 to vector<16xi32>
    %mul3A_103 = arith.muli %iota3A, %mul3A_102 : vector<16xi32>
    %add3A_104 = arith.constant 2 : i32
    %add3A_105 = vector.broadcast %add3A_104 : i32 to vector<16xi32>
    %add3A_106 = arith.addi %mul3A_103, %add3A_105 : vector<16xi32>
    %lt3A_107 = arith.constant 0 : i32
    %lt3A_108 = vector.broadcast %lt3A_107 : i32 to vector<16xi32>
    %lt3A_109 = arith.cmpi slt, %add3A_106, %lt3A_108 : vector<16xi32>
    %add3A_110 = arith.constant 16 : i32
    %add3A_111 = vector.broadcast %add3A_110 : i32 to vector<16xi32>
    %add3A_112 = arith.addi %add3A_106, %add3A_111 : vector<16xi32>
    %select_n3A_113 = arith.select %lt3A_109, %add3A_112, %add3A_106 : vector<16xi1>, vector<16xi32>
    %broadcast_in_dim3A_114 = vector.shape_cast %select_n3A_113 : vector<16xi32> to vector<16x1xi32>
    %gather3A_115 = vector.shape_cast %broadcast_in_dim3A_114 : vector<16x1xi32> to vector<16xi32>
    %gather3A_116 = tpu.dynamic_gather %select_n3A_21[%gather3A_115] in [0] : vector<16xf32>, vector<16xi32> -> vector<16xf32>
    %and3A = arith.constant 1 : i32
    %and3A_117 = vector.broadcast %and3A : i32 to vector<16xi32>
    %and3A_118 = arith.andi %iota3A, %and3A_117 : vector<16xi32>
    %convert_element_type3A_119 = arith.sitofp %and3A_118 : vector<16xi32> to vector<16xf32>
    %shift_right_arithmetic3A = arith.constant 1 : i32
    %shift_right_arithmetic3A_120 = vector.broadcast %shift_right_arithmetic3A : i32 to vector<16xi32>
    %shift_right_arithmetic3A_121 = arith.shrsi %iota3A, %shift_right_arithmetic3A_120 : vector<16xi32>
    %and3A_122 = arith.constant 1 : i32
    %and3A_123 = vector.broadcast %and3A_122 : i32 to vector<16xi32>
    %and3A_124 = arith.andi %shift_right_arithmetic3A_121, %and3A_123 : vector<16xi32>
    %convert_element_type3A_125 = arith.sitofp %and3A_124 : vector<16xi32> to vector<16xf32>
    %shift_right_arithmetic3A_126 = arith.constant 2 : i32
    %shift_right_arithmetic3A_127 = vector.broadcast %shift_right_arithmetic3A_126 : i32 to vector<16xi32>
    %shift_right_arithmetic3A_128 = arith.shrsi %iota3A, %shift_right_arithmetic3A_127 : vector<16xi32>
    %and3A_129 = arith.constant 1 : i32
    %and3A_130 = vector.broadcast %and3A_129 : i32 to vector<16xi32>
    %and3A_131 = arith.andi %shift_right_arithmetic3A_128, %and3A_130 : vector<16xi32>
    %convert_element_type3A_132 = arith.sitofp %and3A_131 : vector<16xi32> to vector<16xf32>
    %add3A_133 = arith.addf %gather3A_84, %convert_element_type3A_119 : vector<16xf32>
    %add3A_134 = arith.addf %gather3A_100, %convert_element_type3A_125 : vector<16xf32>
    %add3A_135 = arith.addf %gather3A_116, %convert_element_type3A_132 : vector<16xf32>
    %max3A_136 = arith.constant 0.000000e+00 : f32
    %max3A_137 = vector.broadcast %max3A_136 : f32 to vector<16xf32>
    %max3A_138 = arith.maximumf %add3A_133, %max3A_137 : vector<16xf32>
    %min3A_139 = arith.constant 1.270000e+02 : f32
    %min3A_140 = vector.broadcast %min3A_139 : f32 to vector<16xf32>
    %min3A_141 = arith.minimumf %max3A_138, %min3A_140 : vector<16xf32>
    %convert_element_type3A_142 = arith.fptosi %min3A_141 : vector<16xf32> to vector<16xi32>
    %max3A_143 = arith.constant 0.000000e+00 : f32
    %max3A_144 = vector.broadcast %max3A_143 : f32 to vector<16xf32>
    %max3A_145 = arith.maximumf %add3A_134, %max3A_144 : vector<16xf32>
    %min3A_146 = arith.constant 1.270000e+02 : f32
    %min3A_147 = vector.broadcast %min3A_146 : f32 to vector<16xf32>
    %min3A_148 = arith.minimumf %max3A_145, %min3A_147 : vector<16xf32>
    %convert_element_type3A_149 = arith.fptosi %min3A_148 : vector<16xf32> to vector<16xi32>
    %max3A_150 = arith.constant 0.000000e+00 : f32
    %max3A_151 = vector.broadcast %max3A_150 : f32 to vector<16xf32>
    %max3A_152 = arith.maximumf %add3A_135, %max3A_151 : vector<16xf32>
    %min3A_153 = arith.constant 6.300000e+01 : f32
    %min3A_154 = vector.broadcast %min3A_153 : f32 to vector<16xf32>
    %min3A_155 = arith.minimumf %max3A_152, %min3A_154 : vector<16xf32>
    %convert_element_type3A_156 = arith.fptosi %min3A_155 : vector<16xf32> to vector<16xi32>
    %mul3A_157 = arith.constant 128 : i32
    %mul3A_158 = vector.broadcast %mul3A_157 : i32 to vector<16xi32>
    %mul3A_159 = arith.muli %convert_element_type3A_156, %mul3A_158 : vector<16xi32>
    %add3A_160 = arith.addi %mul3A_159, %convert_element_type3A_149 : vector<16xi32>
    %mul3A_161 = arith.constant 128 : i32
    %mul3A_162 = vector.broadcast %mul3A_161 : i32 to vector<16xi32>
    %mul3A_163 = arith.muli %add3A_160, %mul3A_162 : vector<16xi32>
    %add3A_164 = arith.addi %mul3A_163, %convert_element_type3A_142 : vector<16xi32>
    %mul3A_165 = arith.constant 0 : i32
    %mul3A_166 = vector.broadcast %mul3A_165 : i32 to vector<16xi32>
    %mul3A_167 = arith.muli %iota3A, %mul3A_166 : vector<16xi32>
    %add3A_168 = arith.constant 0 : i32
    %add3A_169 = vector.broadcast %add3A_168 : i32 to vector<16xi32>
    %add3A_170 = arith.addi %mul3A_167, %add3A_169 : vector<16xi32>
    %lt3A_171 = arith.constant 0 : i32
    %lt3A_172 = vector.broadcast %lt3A_171 : i32 to vector<16xi32>
    %lt3A_173 = arith.cmpi slt, %add3A_170, %lt3A_172 : vector<16xi32>
    %add3A_174 = arith.constant 16 : i32
    %add3A_175 = vector.broadcast %add3A_174 : i32 to vector<16xi32>
    %add3A_176 = arith.addi %add3A_170, %add3A_175 : vector<16xi32>
    %select_n3A_177 = arith.select %lt3A_173, %add3A_176, %add3A_170 : vector<16xi1>, vector<16xi32>
    %broadcast_in_dim3A_178 = vector.shape_cast %select_n3A_177 : vector<16xi32> to vector<16x1xi32>
    %gather3A_179 = vector.shape_cast %broadcast_in_dim3A_178 : vector<16x1xi32> to vector<16xi32>
    %gather3A_180 = tpu.dynamic_gather %add3A_164[%gather3A_179] in [0] : vector<16xi32>, vector<16xi32> -> vector<16xi32>
    %mul3A_181 = arith.constant 0 : i32
    %mul3A_182 = vector.broadcast %mul3A_181 : i32 to vector<16xi32>
    %mul3A_183 = arith.muli %iota3A, %mul3A_182 : vector<16xi32>
    %add3A_184 = arith.constant 4 : i32
    %add3A_185 = vector.broadcast %add3A_184 : i32 to vector<16xi32>
    %add3A_186 = arith.addi %mul3A_183, %add3A_185 : vector<16xi32>
    %lt3A_187 = arith.constant 0 : i32
    %lt3A_188 = vector.broadcast %lt3A_187 : i32 to vector<16xi32>
    %lt3A_189 = arith.cmpi slt, %add3A_186, %lt3A_188 : vector<16xi32>
    %add3A_190 = arith.constant 16 : i32
    %add3A_191 = vector.broadcast %add3A_190 : i32 to vector<16xi32>
    %add3A_192 = arith.addi %add3A_186, %add3A_191 : vector<16xi32>
    %select_n3A_193 = arith.select %lt3A_189, %add3A_192, %add3A_186 : vector<16xi1>, vector<16xi32>
    %broadcast_in_dim3A_194 = vector.shape_cast %select_n3A_193 : vector<16xi32> to vector<16x1xi32>
    %gather3A_195 = vector.shape_cast %broadcast_in_dim3A_194 : vector<16x1xi32> to vector<16xi32>
    %gather3A_196 = tpu.dynamic_gather %add3A_164[%gather3A_195] in [0] : vector<16xi32>, vector<16xi32> -> vector<16xi32>
    %add3A_197 = arith.constant 0 : i32
    %add3A_198 = vector.broadcast %add3A_197 : i32 to vector<16xi32>
    %add3A_199 = arith.addi %iota3A, %add3A_198 : vector<16xi32>
    %mul3A_200 = arith.constant 1048576 : i32
    %mul3A_201 = vector.broadcast %mul3A_200 : i32 to vector<16xi32>
    %mul3A_202 = arith.muli %add3A_199, %mul3A_201 : vector<16xi32>
    %add3A_203 = arith.addi %gather3A_180, %mul3A_202 : vector<16xi32>
    %swap3A = arith.constant 0 : index
    %swap3A_204 = tpu.vector_load %arg6[%swap3A] {strides = array<i32>} : memref<128xi32, #tpu.memory_space<vmem>>, vector<16xi32>,
    %swap3A_205 = vector.shape_cast %swap3A_204 : vector<16xi32> to vector<16xi32>
    %swap3A_206 = vector.shape_cast %add3A_203 : vector<16xi32> to vector<16xi32>
    tpu.vector_store %arg6[%swap3A], %swap3A_206 {strides = array<i32>} : memref<128xi32, #tpu.memory_space<vmem>>, vector<16xi32>,
    %add3A_207 = arith.addi %gather3A_196, %mul3A_202 : vector<16xi32>
    %swap3A_208 = arith.constant 0 : index
    %swap3A_209 = tpu.vector_load %arg7[%swap3A_208] {strides = array<i32>} : memref<128xi32, #tpu.memory_space<vmem>>, vector<16xi32>,
    %swap3A_210 = vector.shape_cast %swap3A_209 : vector<16xi32> to vector<16xi32>
    %swap3A_211 = vector.shape_cast %add3A_207 : vector<16xi32> to vector<16xi32>
    tpu.vector_store %arg7[%swap3A_208], %swap3A_211 {strides = array<i32>} : memref<128xi32, #tpu.memory_space<vmem>>, vector<16xi32>,
    %add3A_212 = arith.constant 16 : i32
    %add3A_213 = vector.broadcast %add3A_212 : i32 to vector<16xi32>
    %add3A_214 = arith.addi %iota3A, %add3A_213 : vector<16xi32>
    %mul3A_215 = arith.constant 1048576 : i32
    %mul3A_216 = vector.broadcast %mul3A_215 : i32 to vector<16xi32>
    %mul3A_217 = arith.muli %add3A_214, %mul3A_216 : vector<16xi32>
    %add3A_218 = arith.addi %gather3A_180, %mul3A_217 : vector<16xi32>
    %swap3A_219 = arith.constant 16 : index
    %swap3A_220 = tpu.vector_load %arg6[%swap3A_219] {strides = array<i32>} : memref<128xi32, #tpu.memory_space<vmem>>, vector<16xi32>,
    %swap3A_221 = vector.shape_cast %swap3A_220 : vector<16xi32> to vector<16xi32>
    %swap3A_222 = vector.shape_cast %add3A_218 : vector<16xi32> to vector<16xi32>
    tpu.vector_store %arg6[%swap3A_219], %swap3A_222 {strides = array<i32>} : memref<128xi32, #tpu.memory_space<vmem>>, vector<16xi32>,
    %add3A_223 = arith.addi %gather3A_196, %mul3A_217 : vector<16xi32>
    %swap3A_224 = arith.constant 16 : index
    %swap3A_225 = tpu.vector_load %arg7[%swap3A_224] {strides = array<i32>} : memref<128xi32, #tpu.memory_space<vmem>>, vector<16xi32>,
    %swap3A_226 = vector.shape_cast %swap3A_225 : vector<16xi32> to vector<16xi32>
    %swap3A_227 = vector.shape_cast %add3A_223 : vector<16xi32> to vector<16xi32>
    tpu.vector_store %arg7[%swap3A_224], %swap3A_227 {strides = array<i32>} : memref<128xi32, #tpu.memory_space<vmem>>, vector<16xi32>,
    %mul3A_228 = arith.constant 0 : i32
    %mul3A_229 = vector.broadcast %mul3A_228 : i32 to vector<16xi32>
    %mul3A_230 = arith.muli %iota3A, %mul3A_229 : vector<16xi32>
    %add3A_231 = arith.constant 1 : i32
    %add3A_232 = vector.broadcast %add3A_231 : i32 to vector<16xi32>
    %add3A_233 = arith.addi %mul3A_230, %add3A_232 : vector<16xi32>
    %lt3A_234 = arith.constant 0 : i32
    %lt3A_235 = vector.broadcast %lt3A_234 : i32 to vector<16xi32>
    %lt3A_236 = arith.cmpi slt, %add3A_233, %lt3A_235 : vector<16xi32>
    %add3A_237 = arith.constant 16 : i32
    %add3A_238 = vector.broadcast %add3A_237 : i32 to vector<16xi32>
    %add3A_239 = arith.addi %add3A_233, %add3A_238 : vector<16xi32>
    %select_n3A_240 = arith.select %lt3A_236, %add3A_239, %add3A_233 : vector<16xi1>, vector<16xi32>
    %broadcast_in_dim3A_241 = vector.shape_cast %select_n3A_240 : vector<16xi32> to vector<16x1xi32>
    %gather3A_242 = vector.shape_cast %broadcast_in_dim3A_241 : vector<16x1xi32> to vector<16xi32>
    %gather3A_243 = tpu.dynamic_gather %add3A_164[%gather3A_242] in [0] : vector<16xi32>, vector<16xi32> -> vector<16xi32>
    %mul3A_244 = arith.constant 0 : i32
    %mul3A_245 = vector.broadcast %mul3A_244 : i32 to vector<16xi32>
    %mul3A_246 = arith.muli %iota3A, %mul3A_245 : vector<16xi32>
    %add3A_247 = arith.constant 5 : i32
    %add3A_248 = vector.broadcast %add3A_247 : i32 to vector<16xi32>
    %add3A_249 = arith.addi %mul3A_246, %add3A_248 : vector<16xi32>
    %lt3A_250 = arith.constant 0 : i32
    %lt3A_251 = vector.broadcast %lt3A_250 : i32 to vector<16xi32>
    %lt3A_252 = arith.cmpi slt, %add3A_249, %lt3A_251 : vector<16xi32>
    %add3A_253 = arith.constant 16 : i32
    %add3A_254 = vector.broadcast %add3A_253 : i32 to vector<16xi32>
    %add3A_255 = arith.addi %add3A_249, %add3A_254 : vector<16xi32>
    %select_n3A_256 = arith.select %lt3A_252, %add3A_255, %add3A_249 : vector<16xi1>, vector<16xi32>
    %broadcast_in_dim3A_257 = vector.shape_cast %select_n3A_256 : vector<16xi32> to vector<16x1xi32>
    %gather3A_258 = vector.shape_cast %broadcast_in_dim3A_257 : vector<16x1xi32> to vector<16xi32>
    %gather3A_259 = tpu.dynamic_gather %add3A_164[%gather3A_258] in [0] : vector<16xi32>, vector<16xi32> -> vector<16xi32>
    %add3A_260 = arith.constant 0 : i32
    %add3A_261 = vector.broadcast %add3A_260 : i32 to vector<16xi32>
    %add3A_262 = arith.addi %iota3A, %add3A_261 : vector<16xi32>
    %mul3A_263 = arith.constant 1048576 : i32
    %mul3A_264 = vector.broadcast %mul3A_263 : i32 to vector<16xi32>
    %mul3A_265 = arith.muli %add3A_262, %mul3A_264 : vector<16xi32>
    %add3A_266 = arith.addi %gather3A_243, %mul3A_265 : vector<16xi32>
    %swap3A_267 = arith.constant 32 : index
    %swap3A_268 = tpu.vector_load %arg6[%swap3A_267] {strides = array<i32>} : memref<128xi32, #tpu.memory_space<vmem>>, vector<16xi32>,
    %swap3A_269 = vector.shape_cast %swap3A_268 : vector<16xi32> to vector<16xi32>
    %swap3A_270 = vector.shape_cast %add3A_266 : vector<16xi32> to vector<16xi32>
    tpu.vector_store %arg6[%swap3A_267], %swap3A_270 {strides = array<i32>} : memref<128xi32, #tpu.memory_space<vmem>>, vector<16xi32>,
    %add3A_271 = arith.addi %gather3A_259, %mul3A_265 : vector<16xi32>
    %swap3A_272 = arith.constant 32 : index
    %swap3A_273 = tpu.vector_load %arg7[%swap3A_272] {strides = array<i32>} : memref<128xi32, #tpu.memory_space<vmem>>, vector<16xi32>,
    %swap3A_274 = vector.shape_cast %swap3A_273 : vector<16xi32> to vector<16xi32>
    %swap3A_275 = vector.shape_cast %add3A_271 : vector<16xi32> to vector<16xi32>
    tpu.vector_store %arg7[%swap3A_272], %swap3A_275 {strides = array<i32>} : memref<128xi32, #tpu.memory_space<vmem>>, vector<16xi32>,
    %add3A_276 = arith.constant 16 : i32
    %add3A_277 = vector.broadcast %add3A_276 : i32 to vector<16xi32>
    %add3A_278 = arith.addi %iota3A, %add3A_277 : vector<16xi32>
    %mul3A_279 = arith.constant 1048576 : i32
    %mul3A_280 = vector.broadcast %mul3A_279 : i32 to vector<16xi32>
    %mul3A_281 = arith.muli %add3A_278, %mul3A_280 : vector<16xi32>
    %add3A_282 = arith.addi %gather3A_243, %mul3A_281 : vector<16xi32>
    %swap3A_283 = arith.constant 48 : index
    %swap3A_284 = tpu.vector_load %arg6[%swap3A_283] {strides = array<i32>} : memref<128xi32, #tpu.memory_space<vmem>>, vector<16xi32>,
    %swap3A_285 = vector.shape_cast %swap3A_284 : vector<16xi32> to vector<16xi32>
    %swap3A_286 = vector.shape_cast %add3A_282 : vector<16xi32> to vector<16xi32>
    tpu.vector_store %arg6[%swap3A_283], %swap3A_286 {strides = array<i32>} : memref<128xi32, #tpu.memory_space<vmem>>, vector<16xi32>,
    %add3A_287 = arith.addi %gather3A_259, %mul3A_281 : vector<16xi32>
    %swap3A_288 = arith.constant 48 : index
    %swap3A_289 = tpu.vector_load %arg7[%swap3A_288] {strides = array<i32>} : memref<128xi32, #tpu.memory_space<vmem>>, vector<16xi32>,
    %swap3A_290 = vector.shape_cast %swap3A_289 : vector<16xi32> to vector<16xi32>
    %swap3A_291 = vector.shape_cast %add3A_287 : vector<16xi32> to vector<16xi32>
    tpu.vector_store %arg7[%swap3A_288], %swap3A_291 {strides = array<i32>} : memref<128xi32, #tpu.memory_space<vmem>>, vector<16xi32>,
    %mul3A_292 = arith.constant 0 : i32
    %mul3A_293 = vector.broadcast %mul3A_292 : i32 to vector<16xi32>
    %mul3A_294 = arith.muli %iota3A, %mul3A_293 : vector<16xi32>
    %add3A_295 = arith.constant 2 : i32
    %add3A_296 = vector.broadcast %add3A_295 : i32 to vector<16xi32>
    %add3A_297 = arith.addi %mul3A_294, %add3A_296 : vector<16xi32>
    %lt3A_298 = arith.constant 0 : i32
    %lt3A_299 = vector.broadcast %lt3A_298 : i32 to vector<16xi32>
    %lt3A_300 = arith.cmpi slt, %add3A_297, %lt3A_299 : vector<16xi32>
    %add3A_301 = arith.constant 16 : i32
    %add3A_302 = vector.broadcast %add3A_301 : i32 to vector<16xi32>
    %add3A_303 = arith.addi %add3A_297, %add3A_302 : vector<16xi32>
    %select_n3A_304 = arith.select %lt3A_300, %add3A_303, %add3A_297 : vector<16xi1>, vector<16xi32>
    %broadcast_in_dim3A_305 = vector.shape_cast %select_n3A_304 : vector<16xi32> to vector<16x1xi32>
    %gather3A_306 = vector.shape_cast %broadcast_in_dim3A_305 : vector<16x1xi32> to vector<16xi32>
    %gather3A_307 = tpu.dynamic_gather %add3A_164[%gather3A_306] in [0] : vector<16xi32>, vector<16xi32> -> vector<16xi32>
    %mul3A_308 = arith.constant 0 : i32
    %mul3A_309 = vector.broadcast %mul3A_308 : i32 to vector<16xi32>
    %mul3A_310 = arith.muli %iota3A, %mul3A_309 : vector<16xi32>
    %add3A_311 = arith.constant 6 : i32
    %add3A_312 = vector.broadcast %add3A_311 : i32 to vector<16xi32>
    %add3A_313 = arith.addi %mul3A_310, %add3A_312 : vector<16xi32>
    %lt3A_314 = arith.constant 0 : i32
    %lt3A_315 = vector.broadcast %lt3A_314 : i32 to vector<16xi32>
    %lt3A_316 = arith.cmpi slt, %add3A_313, %lt3A_315 : vector<16xi32>
    %add3A_317 = arith.constant 16 : i32
    %add3A_318 = vector.broadcast %add3A_317 : i32 to vector<16xi32>
    %add3A_319 = arith.addi %add3A_313, %add3A_318 : vector<16xi32>
    %select_n3A_320 = arith.select %lt3A_316, %add3A_319, %add3A_313 : vector<16xi1>, vector<16xi32>
    %broadcast_in_dim3A_321 = vector.shape_cast %select_n3A_320 : vector<16xi32> to vector<16x1xi32>
    %gather3A_322 = vector.shape_cast %broadcast_in_dim3A_321 : vector<16x1xi32> to vector<16xi32>
    %gather3A_323 = tpu.dynamic_gather %add3A_164[%gather3A_322] in [0] : vector<16xi32>, vector<16xi32> -> vector<16xi32>
    %add3A_324 = arith.constant 0 : i32
    %add3A_325 = vector.broadcast %add3A_324 : i32 to vector<16xi32>
    %add3A_326 = arith.addi %iota3A, %add3A_325 : vector<16xi32>
    %mul3A_327 = arith.constant 1048576 : i32
    %mul3A_328 = vector.broadcast %mul3A_327 : i32 to vector<16xi32>
    %mul3A_329 = arith.muli %add3A_326, %mul3A_328 : vector<16xi32>
    %add3A_330 = arith.addi %gather3A_307, %mul3A_329 : vector<16xi32>
    %swap3A_331 = arith.constant 64 : index
    %swap3A_332 = tpu.vector_load %arg6[%swap3A_331] {strides = array<i32>} : memref<128xi32, #tpu.memory_space<vmem>>, vector<16xi32>,
    %swap3A_333 = vector.shape_cast %swap3A_332 : vector<16xi32> to vector<16xi32>
    %swap3A_334 = vector.shape_cast %add3A_330 : vector<16xi32> to vector<16xi32>
    tpu.vector_store %arg6[%swap3A_331], %swap3A_334 {strides = array<i32>} : memref<128xi32, #tpu.memory_space<vmem>>, vector<16xi32>,
    %add3A_335 = arith.addi %gather3A_323, %mul3A_329 : vector<16xi32>
    %swap3A_336 = arith.constant 64 : index
    %swap3A_337 = tpu.vector_load %arg7[%swap3A_336] {strides = array<i32>} : memref<128xi32, #tpu.memory_space<vmem>>, vector<16xi32>,
    %swap3A_338 = vector.shape_cast %swap3A_337 : vector<16xi32> to vector<16xi32>
    %swap3A_339 = vector.shape_cast %add3A_335 : vector<16xi32> to vector<16xi32>
    tpu.vector_store %arg7[%swap3A_336], %swap3A_339 {strides = array<i32>} : memref<128xi32, #tpu.memory_space<vmem>>, vector<16xi32>,
    %add3A_340 = arith.constant 16 : i32
    %add3A_341 = vector.broadcast %add3A_340 : i32 to vector<16xi32>
    %add3A_342 = arith.addi %iota3A, %add3A_341 : vector<16xi32>
    %mul3A_343 = arith.constant 1048576 : i32
    %mul3A_344 = vector.broadcast %mul3A_343 : i32 to vector<16xi32>
    %mul3A_345 = arith.muli %add3A_342, %mul3A_344 : vector<16xi32>
    %add3A_346 = arith.addi %gather3A_307, %mul3A_345 : vector<16xi32>
    %swap3A_347 = arith.constant 80 : index
    %swap3A_348 = tpu.vector_load %arg6[%swap3A_347] {strides = array<i32>} : memref<128xi32, #tpu.memory_space<vmem>>, vector<16xi32>,
    %swap3A_349 = vector.shape_cast %swap3A_348 : vector<16xi32> to vector<16xi32>
    %swap3A_350 = vector.shape_cast %add3A_346 : vector<16xi32> to vector<16xi32>
    tpu.vector_store %arg6[%swap3A_347], %swap3A_350 {strides = array<i32>} : memref<128xi32, #tpu.memory_space<vmem>>, vector<16xi32>,
    %add3A_351 = arith.addi %gather3A_323, %mul3A_345 : vector<16xi32>
    %swap3A_352 = arith.constant 80 : index
    %swap3A_353 = tpu.vector_load %arg7[%swap3A_352] {strides = array<i32>} : memref<128xi32, #tpu.memory_space<vmem>>, vector<16xi32>,
    %swap3A_354 = vector.shape_cast %swap3A_353 : vector<16xi32> to vector<16xi32>
    %swap3A_355 = vector.shape_cast %add3A_351 : vector<16xi32> to vector<16xi32>
    tpu.vector_store %arg7[%swap3A_352], %swap3A_355 {strides = array<i32>} : memref<128xi32, #tpu.memory_space<vmem>>, vector<16xi32>,
    %mul3A_356 = arith.constant 0 : i32
    %mul3A_357 = vector.broadcast %mul3A_356 : i32 to vector<16xi32>
    %mul3A_358 = arith.muli %iota3A, %mul3A_357 : vector<16xi32>
    %add3A_359 = arith.constant 3 : i32
    %add3A_360 = vector.broadcast %add3A_359 : i32 to vector<16xi32>
    %add3A_361 = arith.addi %mul3A_358, %add3A_360 : vector<16xi32>
    %lt3A_362 = arith.constant 0 : i32
    %lt3A_363 = vector.broadcast %lt3A_362 : i32 to vector<16xi32>
    %lt3A_364 = arith.cmpi slt, %add3A_361, %lt3A_363 : vector<16xi32>
    %add3A_365 = arith.constant 16 : i32
    %add3A_366 = vector.broadcast %add3A_365 : i32 to vector<16xi32>
    %add3A_367 = arith.addi %add3A_361, %add3A_366 : vector<16xi32>
    %select_n3A_368 = arith.select %lt3A_364, %add3A_367, %add3A_361 : vector<16xi1>, vector<16xi32>
    %broadcast_in_dim3A_369 = vector.shape_cast %select_n3A_368 : vector<16xi32> to vector<16x1xi32>
    %gather3A_370 = vector.shape_cast %broadcast_in_dim3A_369 : vector<16x1xi32> to vector<16xi32>
    %gather3A_371 = tpu.dynamic_gather %add3A_164[%gather3A_370] in [0] : vector<16xi32>, vector<16xi32> -> vector<16xi32>
    %mul3A_372 = arith.constant 0 : i32
    %mul3A_373 = vector.broadcast %mul3A_372 : i32 to vector<16xi32>
    %mul3A_374 = arith.muli %iota3A, %mul3A_373 : vector<16xi32>
    %add3A_375 = arith.constant 7 : i32
    %add3A_376 = vector.broadcast %add3A_375 : i32 to vector<16xi32>
    %add3A_377 = arith.addi %mul3A_374, %add3A_376 : vector<16xi32>
    %lt3A_378 = arith.constant 0 : i32
    %lt3A_379 = vector.broadcast %lt3A_378 : i32 to vector<16xi32>
    %lt3A_380 = arith.cmpi slt, %add3A_377, %lt3A_379 : vector<16xi32>
    %add3A_381 = arith.constant 16 : i32
    %add3A_382 = vector.broadcast %add3A_381 : i32 to vector<16xi32>
    %add3A_383 = arith.addi %add3A_377, %add3A_382 : vector<16xi32>
    %select_n3A_384 = arith.select %lt3A_380, %add3A_383, %add3A_377 : vector<16xi1>, vector<16xi32>
    %broadcast_in_dim3A_385 = vector.shape_cast %select_n3A_384 : vector<16xi32> to vector<16x1xi32>
    %gather3A_386 = vector.shape_cast %broadcast_in_dim3A_385 : vector<16x1xi32> to vector<16xi32>
    %gather3A_387 = tpu.dynamic_gather %add3A_164[%gather3A_386] in [0] : vector<16xi32>, vector<16xi32> -> vector<16xi32>
    %add3A_388 = arith.constant 0 : i32
    %add3A_389 = vector.broadcast %add3A_388 : i32 to vector<16xi32>
    %add3A_390 = arith.addi %iota3A, %add3A_389 : vector<16xi32>
    %mul3A_391 = arith.constant 1048576 : i32
    %mul3A_392 = vector.broadcast %mul3A_391 : i32 to vector<16xi32>
    %mul3A_393 = arith.muli %add3A_390, %mul3A_392 : vector<16xi32>
    %add3A_394 = arith.addi %gather3A_371, %mul3A_393 : vector<16xi32>
    %swap3A_395 = arith.constant 96 : index
    %swap3A_396 = tpu.vector_load %arg6[%swap3A_395] {strides = array<i32>} : memref<128xi32, #tpu.memory_space<vmem>>, vector<16xi32>,
    %swap3A_397 = vector.shape_cast %swap3A_396 : vector<16xi32> to vector<16xi32>
    %swap3A_398 = vector.shape_cast %add3A_394 : vector<16xi32> to vector<16xi32>
    tpu.vector_store %arg6[%swap3A_395], %swap3A_398 {strides = array<i32>} : memref<128xi32, #tpu.memory_space<vmem>>, vector<16xi32>,
    %add3A_399 = arith.addi %gather3A_387, %mul3A_393 : vector<16xi32>
    %swap3A_400 = arith.constant 96 : index
    %swap3A_401 = tpu.vector_load %arg7[%swap3A_400] {strides = array<i32>} : memref<128xi32, #tpu.memory_space<vmem>>, vector<16xi32>,
    %swap3A_402 = vector.shape_cast %swap3A_401 : vector<16xi32> to vector<16xi32>
    %swap3A_403 = vector.shape_cast %add3A_399 : vector<16xi32> to vector<16xi32>
    tpu.vector_store %arg7[%swap3A_400], %swap3A_403 {strides = array<i32>} : memref<128xi32, #tpu.memory_space<vmem>>, vector<16xi32>,
    %add3A_404 = arith.constant 16 : i32
    %add3A_405 = vector.broadcast %add3A_404 : i32 to vector<16xi32>
    %add3A_406 = arith.addi %iota3A, %add3A_405 : vector<16xi32>
    %mul3A_407 = arith.constant 1048576 : i32
    %mul3A_408 = vector.broadcast %mul3A_407 : i32 to vector<16xi32>
    %mul3A_409 = arith.muli %add3A_406, %mul3A_408 : vector<16xi32>
    %add3A_410 = arith.addi %gather3A_371, %mul3A_409 : vector<16xi32>
    %swap3A_411 = arith.constant 112 : index
    %swap3A_412 = tpu.vector_load %arg6[%swap3A_411] {strides = array<i32>} : memref<128xi32, #tpu.memory_space<vmem>>, vector<16xi32>,
    %swap3A_413 = vector.shape_cast %swap3A_412 : vector<16xi32> to vector<16xi32>
    %swap3A_414 = vector.shape_cast %add3A_410 : vector<16xi32> to vector<16xi32>
    tpu.vector_store %arg6[%swap3A_411], %swap3A_414 {strides = array<i32>} : memref<128xi32, #tpu.memory_space<vmem>>, vector<16xi32>,
    %add3A_415 = arith.addi %gather3A_387, %mul3A_409 : vector<16xi32>
    %swap3A_416 = arith.constant 112 : index
    %swap3A_417 = tpu.vector_load %arg7[%swap3A_416] {strides = array<i32>} : memref<128xi32, #tpu.memory_space<vmem>>, vector<16xi32>,
    %swap3A_418 = vector.shape_cast %swap3A_417 : vector<16xi32> to vector<16xi32>
    %swap3A_419 = vector.shape_cast %add3A_415 : vector<16xi32> to vector<16xi32>
    tpu.vector_store %arg7[%swap3A_416], %swap3A_419 {strides = array<i32>} : memref<128xi32, #tpu.memory_space<vmem>>, vector<16xi32>,
    %dma_start3A = arith.constant 0 : i32
    %dma_start3A_420 = tpu.memref_slice %arg2[%dma_start3A] : memref<33554432xf32, #tpu.memory_space<hbm>> -> memref<33554432xf32, #tpu.memory_space<hbm>>
    tpu.enqueue_indirect_dma source(%dma_start3A_420 : memref<33554432xf32, #tpu.memory_space<hbm>>) target(%arg8 : memref<128xf32, #tpu.memory_space<vmem>>) offsets(%arg6 : memref<128xi32, #tpu.memory_space<vmem>>) semaphore(%arg11 : memref<!tpu.dma_semaphore, #tpu.memory_space<semaphore_mem>>)
    %dma_start3A_421 = arith.constant 0 : i32
    %dma_start3A_422 = tpu.memref_slice %arg2[%dma_start3A_421] : memref<33554432xf32, #tpu.memory_space<hbm>> -> memref<33554432xf32, #tpu.memory_space<hbm>>
    tpu.enqueue_indirect_dma source(%dma_start3A_422 : memref<33554432xf32, #tpu.memory_space<hbm>>) target(%arg9 : memref<128xf32, #tpu.memory_space<vmem>>) offsets(%arg7 : memref<128xi32, #tpu.memory_space<vmem>>) semaphore(%arg11 : memref<!tpu.dma_semaphore, #tpu.memory_space<semaphore_mem>>)
    %sub3A_423 = arith.subf %gather3A_36, %add3A_133 : vector<16xf32>
    %abs3A = math.absf %sub3A_423 : vector<16xf32>
    %sub3A_424 = arith.constant 1.000000e+00 : f32
    %sub3A_425 = vector.broadcast %sub3A_424 : f32 to vector<16xf32>
    %sub3A_426 = arith.subf %sub3A_425, %abs3A : vector<16xf32>
    %sub3A_427 = arith.subf %gather3A_52, %add3A_134 : vector<16xf32>
    %abs3A_428 = math.absf %sub3A_427 : vector<16xf32>
    %sub3A_429 = arith.constant 1.000000e+00 : f32
    %sub3A_430 = vector.broadcast %sub3A_429 : f32 to vector<16xf32>
    %sub3A_431 = arith.subf %sub3A_430, %abs3A_428 : vector<16xf32>
    %sub3A_432 = arith.subf %gather3A_68, %add3A_135 : vector<16xf32>
    %abs3A_433 = math.absf %sub3A_432 : vector<16xf32>
    %sub3A_434 = arith.constant 1.000000e+00 : f32
    %sub3A_435 = vector.broadcast %sub3A_434 : f32 to vector<16xf32>
    %sub3A_436 = arith.subf %sub3A_435, %abs3A_433 : vector<16xf32>
    %ge3A = arith.constant 0.000000e+00 : f32
    %ge3A_437 = vector.broadcast %ge3A : f32 to vector<16xf32>
    %ge3A_438 = arith.cmpf oge, %add3A_133, %ge3A_437 : vector<16xf32>
    %le3A = arith.constant 1.270000e+02 : f32
    %le3A_439 = vector.broadcast %le3A : f32 to vector<16xf32>
    %le3A_440 = arith.cmpf ole, %add3A_133, %le3A_439 : vector<16xf32>
    %and3A_441 = arith.andi %ge3A_438, %le3A_440 : vector<16xi1>
    %ge3A_442 = arith.constant 0.000000e+00 : f32
    %ge3A_443 = vector.broadcast %ge3A_442 : f32 to vector<16xf32>
    %ge3A_444 = arith.cmpf oge, %add3A_134, %ge3A_443 : vector<16xf32>
    %and3A_445 = arith.andi %and3A_441, %ge3A_444 : vector<16xi1>
    %le3A_446 = arith.constant 1.270000e+02 : f32
    %le3A_447 = vector.broadcast %le3A_446 : f32 to vector<16xf32>
    %le3A_448 = arith.cmpf ole, %add3A_134, %le3A_447 : vector<16xf32>
    %and3A_449 = arith.andi %and3A_445, %le3A_448 : vector<16xi1>
    %ge3A_450 = arith.constant 0.000000e+00 : f32
    %ge3A_451 = vector.broadcast %ge3A_450 : f32 to vector<16xf32>
    %ge3A_452 = arith.cmpf oge, %add3A_135, %ge3A_451 : vector<16xf32>
    %and3A_453 = arith.andi %and3A_449, %ge3A_452 : vector<16xi1>
    %le3A_454 = arith.constant 6.300000e+01 : f32
    %le3A_455 = vector.broadcast %le3A_454 : f32 to vector<16xf32>
    %le3A_456 = arith.cmpf ole, %add3A_135, %le3A_455 : vector<16xf32>
    %and3A_457 = arith.andi %and3A_453, %le3A_456 : vector<16xi1>
    %lt3A_458 = arith.constant 8 : i32
    %lt3A_459 = vector.broadcast %lt3A_458 : i32 to vector<16xi32>
    %lt3A_460 = arith.cmpi slt, %iota3A, %lt3A_459 : vector<16xi32>
    %and3A_461 = arith.andi %and3A_457, %lt3A_460 : vector<16xi1>
    %mul3A_462 = arith.mulf %sub3A_426, %sub3A_431 : vector<16xf32>
    %mul3A_463 = arith.mulf %mul3A_462, %sub3A_436 : vector<16xf32>
    %jit3A_464 = arith.constant 0.000000e+00 : f32
    %broadcast_in_dim3A_465 = vector.broadcast %jit3A_464 : f32 to vector<16xf32>
    %select_n3A_466 = arith.select %and3A_461, %mul3A_463, %broadcast_in_dim3A_465 : vector<16xi1>, vector<16xf32>
    %mul3A_467 = arith.constant 0 : i32
    %mul3A_468 = vector.broadcast %mul3A_467 : i32 to vector<16xi32>
    %mul3A_469 = arith.muli %iota3A, %mul3A_468 : vector<16xi32>
    %add3A_470 = arith.constant 0 : i32
    %add3A_471 = vector.broadcast %add3A_470 : i32 to vector<16xi32>
    %add3A_472 = arith.addi %mul3A_469, %add3A_471 : vector<16xi32>
    %lt3A_473 = arith.constant 0 : i32
    %lt3A_474 = vector.broadcast %lt3A_473 : i32 to vector<16xi32>
    %lt3A_475 = arith.cmpi slt, %add3A_472, %lt3A_474 : vector<16xi32>
    %add3A_476 = arith.constant 16 : i32
    %add3A_477 = vector.broadcast %add3A_476 : i32 to vector<16xi32>
    %add3A_478 = arith.addi %add3A_472, %add3A_477 : vector<16xi32>
    %select_n3A_479 = arith.select %lt3A_475, %add3A_478, %add3A_472 : vector<16xi1>, vector<16xi32>
    %broadcast_in_dim3A_480 = vector.shape_cast %select_n3A_479 : vector<16xi32> to vector<16x1xi32>
    %gather3A_481 = vector.shape_cast %broadcast_in_dim3A_480 : vector<16x1xi32> to vector<16xi32>
    %gather3A_482 = tpu.dynamic_gather %select_n3A_466[%gather3A_481] in [0] : vector<16xf32>, vector<16xi32> -> vector<16xf32>
    %mul3A_483 = arith.constant 0 : i32
    %mul3A_484 = vector.broadcast %mul3A_483 : i32 to vector<16xi32>
    %mul3A_485 = arith.muli %iota3A, %mul3A_484 : vector<16xi32>
    %add3A_486 = arith.constant 1 : i32
    %add3A_487 = vector.broadcast %add3A_486 : i32 to vector<16xi32>
    %add3A_488 = arith.addi %mul3A_485, %add3A_487 : vector<16xi32>
    %lt3A_489 = arith.constant 0 : i32
    %lt3A_490 = vector.broadcast %lt3A_489 : i32 to vector<16xi32>
    %lt3A_491 = arith.cmpi slt, %add3A_488, %lt3A_490 : vector<16xi32>
    %add3A_492 = arith.constant 16 : i32
    %add3A_493 = vector.broadcast %add3A_492 : i32 to vector<16xi32>
    %add3A_494 = arith.addi %add3A_488, %add3A_493 : vector<16xi32>
    %select_n3A_495 = arith.select %lt3A_491, %add3A_494, %add3A_488 : vector<16xi1>, vector<16xi32>
    %broadcast_in_dim3A_496 = vector.shape_cast %select_n3A_495 : vector<16xi32> to vector<16x1xi32>
    %gather3A_497 = vector.shape_cast %broadcast_in_dim3A_496 : vector<16x1xi32> to vector<16xi32>
    %gather3A_498 = tpu.dynamic_gather %select_n3A_466[%gather3A_497] in [0] : vector<16xf32>, vector<16xi32> -> vector<16xf32>
    %mul3A_499 = arith.constant 0 : i32
    %mul3A_500 = vector.broadcast %mul3A_499 : i32 to vector<16xi32>
    %mul3A_501 = arith.muli %iota3A, %mul3A_500 : vector<16xi32>
    %add3A_502 = arith.constant 2 : i32
    %add3A_503 = vector.broadcast %add3A_502 : i32 to vector<16xi32>
    %add3A_504 = arith.addi %mul3A_501, %add3A_503 : vector<16xi32>
    %lt3A_505 = arith.constant 0 : i32
    %lt3A_506 = vector.broadcast %lt3A_505 : i32 to vector<16xi32>
    %lt3A_507 = arith.cmpi slt, %add3A_504, %lt3A_506 : vector<16xi32>
    %add3A_508 = arith.constant 16 : i32
    %add3A_509 = vector.broadcast %add3A_508 : i32 to vector<16xi32>
    %add3A_510 = arith.addi %add3A_504, %add3A_509 : vector<16xi32>
    %select_n3A_511 = arith.select %lt3A_507, %add3A_510, %add3A_504 : vector<16xi1>, vector<16xi32>
    %broadcast_in_dim3A_512 = vector.shape_cast %select_n3A_511 : vector<16xi32> to vector<16x1xi32>
    %gather3A_513 = vector.shape_cast %broadcast_in_dim3A_512 : vector<16x1xi32> to vector<16xi32>
    %gather3A_514 = tpu.dynamic_gather %select_n3A_466[%gather3A_513] in [0] : vector<16xf32>, vector<16xi32> -> vector<16xf32>
    %mul3A_515 = arith.constant 0 : i32
    %mul3A_516 = vector.broadcast %mul3A_515 : i32 to vector<16xi32>
    %mul3A_517 = arith.muli %iota3A, %mul3A_516 : vector<16xi32>
    %add3A_518 = arith.constant 3 : i32
    %add3A_519 = vector.broadcast %add3A_518 : i32 to vector<16xi32>
    %add3A_520 = arith.addi %mul3A_517, %add3A_519 : vector<16xi32>
    %lt3A_521 = arith.constant 0 : i32
    %lt3A_522 = vector.broadcast %lt3A_521 : i32 to vector<16xi32>
    %lt3A_523 = arith.cmpi slt, %add3A_520, %lt3A_522 : vector<16xi32>
    %add3A_524 = arith.constant 16 : i32
    %add3A_525 = vector.broadcast %add3A_524 : i32 to vector<16xi32>
    %add3A_526 = arith.addi %add3A_520, %add3A_525 : vector<16xi32>
    %select_n3A_527 = arith.select %lt3A_523, %add3A_526, %add3A_520 : vector<16xi1>, vector<16xi32>
    %broadcast_in_dim3A_528 = vector.shape_cast %select_n3A_527 : vector<16xi32> to vector<16x1xi32>
    %gather3A_529 = vector.shape_cast %broadcast_in_dim3A_528 : vector<16x1xi32> to vector<16xi32>
    %gather3A_530 = tpu.dynamic_gather %select_n3A_466[%gather3A_529] in [0] : vector<16xf32>, vector<16xi32> -> vector<16xf32>
    %mul3A_531 = arith.constant 0 : i32
    %mul3A_532 = vector.broadcast %mul3A_531 : i32 to vector<16xi32>
    %mul3A_533 = arith.muli %iota3A, %mul3A_532 : vector<16xi32>
    %add3A_534 = arith.constant 4 : i32
    %add3A_535 = vector.broadcast %add3A_534 : i32 to vector<16xi32>
    %add3A_536 = arith.addi %mul3A_533, %add3A_535 : vector<16xi32>
    %lt3A_537 = arith.constant 0 : i32
    %lt3A_538 = vector.broadcast %lt3A_537 : i32 to vector<16xi32>
    %lt3A_539 = arith.cmpi slt, %add3A_536, %lt3A_538 : vector<16xi32>
    %add3A_540 = arith.constant 16 : i32
    %add3A_541 = vector.broadcast %add3A_540 : i32 to vector<16xi32>
    %add3A_542 = arith.addi %add3A_536, %add3A_541 : vector<16xi32>
    %select_n3A_543 = arith.select %lt3A_539, %add3A_542, %add3A_536 : vector<16xi1>, vector<16xi32>
    %broadcast_in_dim3A_544 = vector.shape_cast %select_n3A_543 : vector<16xi32> to vector<16x1xi32>
    %gather3A_545 = vector.shape_cast %broadcast_in_dim3A_544 : vector<16x1xi32> to vector<16xi32>
    %gather3A_546 = tpu.dynamic_gather %select_n3A_466[%gather3A_545] in [0] : vector<16xf32>, vector<16xi32> -> vector<16xf32>
    %mul3A_547 = arith.constant 0 : i32
    %mul3A_548 = vector.broadcast %mul3A_547 : i32 to vector<16xi32>
    %mul3A_549 = arith.muli %iota3A, %mul3A_548 : vector<16xi32>
    %add3A_550 = arith.constant 5 : i32
    %add3A_551 = vector.broadcast %add3A_550 : i32 to vector<16xi32>
    %add3A_552 = arith.addi %mul3A_549, %add3A_551 : vector<16xi32>
    %lt3A_553 = arith.constant 0 : i32
    %lt3A_554 = vector.broadcast %lt3A_553 : i32 to vector<16xi32>
    %lt3A_555 = arith.cmpi slt, %add3A_552, %lt3A_554 : vector<16xi32>
    %add3A_556 = arith.constant 16 : i32
    %add3A_557 = vector.broadcast %add3A_556 : i32 to vector<16xi32>
    %add3A_558 = arith.addi %add3A_552, %add3A_557 : vector<16xi32>
    %select_n3A_559 = arith.select %lt3A_555, %add3A_558, %add3A_552 : vector<16xi1>, vector<16xi32>
    %broadcast_in_dim3A_560 = vector.shape_cast %select_n3A_559 : vector<16xi32> to vector<16x1xi32>
    %gather3A_561 = vector.shape_cast %broadcast_in_dim3A_560 : vector<16x1xi32> to vector<16xi32>
    %gather3A_562 = tpu.dynamic_gather %select_n3A_466[%gather3A_561] in [0] : vector<16xf32>, vector<16xi32> -> vector<16xf32>
    %mul3A_563 = arith.constant 0 : i32
    %mul3A_564 = vector.broadcast %mul3A_563 : i32 to vector<16xi32>
    %mul3A_565 = arith.muli %iota3A, %mul3A_564 : vector<16xi32>
    %add3A_566 = arith.constant 6 : i32
    %add3A_567 = vector.broadcast %add3A_566 : i32 to vector<16xi32>
    %add3A_568 = arith.addi %mul3A_565, %add3A_567 : vector<16xi32>
    %lt3A_569 = arith.constant 0 : i32
    %lt3A_570 = vector.broadcast %lt3A_569 : i32 to vector<16xi32>
    %lt3A_571 = arith.cmpi slt, %add3A_568, %lt3A_570 : vector<16xi32>
    %add3A_572 = arith.constant 16 : i32
    %add3A_573 = vector.broadcast %add3A_572 : i32 to vector<16xi32>
    %add3A_574 = arith.addi %add3A_568, %add3A_573 : vector<16xi32>
    %select_n3A_575 = arith.select %lt3A_571, %add3A_574, %add3A_568 : vector<16xi1>, vector<16xi32>
    %broadcast_in_dim3A_576 = vector.shape_cast %select_n3A_575 : vector<16xi32> to vector<16x1xi32>
    %gather3A_577 = vector.shape_cast %broadcast_in_dim3A_576 : vector<16x1xi32> to vector<16xi32>
    %gather3A_578 = tpu.dynamic_gather %select_n3A_466[%gather3A_577] in [0] : vector<16xf32>, vector<16xi32> -> vector<16xf32>
    %mul3A_579 = arith.constant 0 : i32
    %mul3A_580 = vector.broadcast %mul3A_579 : i32 to vector<16xi32>
    %mul3A_581 = arith.muli %iota3A, %mul3A_580 : vector<16xi32>
    %add3A_582 = arith.constant 7 : i32
    %add3A_583 = vector.broadcast %add3A_582 : i32 to vector<16xi32>
    %add3A_584 = arith.addi %mul3A_581, %add3A_583 : vector<16xi32>
    %lt3A_585 = arith.constant 0 : i32
    %lt3A_586 = vector.broadcast %lt3A_585 : i32 to vector<16xi32>
    %lt3A_587 = arith.cmpi slt, %add3A_584, %lt3A_586 : vector<16xi32>
    %add3A_588 = arith.constant 16 : i32
    %add3A_589 = vector.broadcast %add3A_588 : i32 to vector<16xi32>
    %add3A_590 = arith.addi %add3A_584, %add3A_589 : vector<16xi32>
    %select_n3A_591 = arith.select %lt3A_587, %add3A_590, %add3A_584 : vector<16xi1>, vector<16xi32>
    %broadcast_in_dim3A_592 = vector.shape_cast %select_n3A_591 : vector<16xi32> to vector<16x1xi32>
    %gather3A_593 = vector.shape_cast %broadcast_in_dim3A_592 : vector<16x1xi32> to vector<16xi32>
    %gather3A_594 = tpu.dynamic_gather %select_n3A_466[%gather3A_593] in [0] : vector<16xf32>, vector<16xi32> -> vector<16xf32>
    %dma_wait3A = arith.constant 0 : i32
    %dma_wait3A_595 = tpu.memref_slice %arg2[%dma_wait3A] : memref<33554432xf32, #tpu.memory_space<hbm>> -> memref<33554432xf32, #tpu.memory_space<hbm>>
    tpu.wait_indirect_dma semaphore(%arg11 : memref<!tpu.dma_semaphore, #tpu.memory_space<semaphore_mem>>) src(%dma_wait3A_595 : memref<33554432xf32, #tpu.memory_space<hbm>>) dst(%arg8 : memref<128xf32, #tpu.memory_space<vmem>>)
    %dma_wait3A_596 = arith.constant 0 : i32
    %dma_wait3A_597 = tpu.memref_slice %arg2[%dma_wait3A_596] : memref<33554432xf32, #tpu.memory_space<hbm>> -> memref<33554432xf32, #tpu.memory_space<hbm>>
    tpu.wait_indirect_dma semaphore(%arg11 : memref<!tpu.dma_semaphore, #tpu.memory_space<semaphore_mem>>) src(%dma_wait3A_597 : memref<33554432xf32, #tpu.memory_space<hbm>>) dst(%arg9 : memref<128xf32, #tpu.memory_space<vmem>>)
    %lt3A_598 = arith.constant 0 : i32
    %lt3A_599 = vector.broadcast %lt3A_598 : i32 to vector<16xi32>
    %lt3A_600 = arith.cmpi slt, %iota3A, %lt3A_599 : vector<16xi32>
    %jit3A_601 = arith.constant 1.000000e+00 : f32
    %jit3A_602 = arith.constant 0.000000e+00 : f32
    %broadcast_in_dim3A_603 = vector.broadcast %jit3A_601 : f32 to vector<16xf32>
    %broadcast_in_dim3A_604 = vector.broadcast %jit3A_602 : f32 to vector<16xf32>
    %select_n3A_605 = arith.select %lt3A_600, %broadcast_in_dim3A_603, %broadcast_in_dim3A_604 : vector<16xi1>, vector<16xf32>
    %get3A_606 = arith.constant 0 : index
    %get3A_607 = tpu.vector_load %arg8[%get3A_606] {strides = array<i32>} : memref<128xf32, #tpu.memory_space<vmem>>, vector<16xf32>,
    %get3A_608 = vector.shape_cast %get3A_607 : vector<16xf32> to vector<16xf32>
    %mul3A_609 = arith.mulf %get3A_608, %gather3A_482 : vector<16xf32>
    %add3A_610 = arith.addf %select_n3A_605, %mul3A_609 : vector<16xf32>
    %get3A_611 = arith.constant 16 : index
    %get3A_612 = tpu.vector_load %arg8[%get3A_611] {strides = array<i32>} : memref<128xf32, #tpu.memory_space<vmem>>, vector<16xf32>,
    %get3A_613 = vector.shape_cast %get3A_612 : vector<16xf32> to vector<16xf32>
    %mul3A_614 = arith.mulf %get3A_613, %gather3A_482 : vector<16xf32>
    %add3A_615 = arith.addf %select_n3A_605, %mul3A_614 : vector<16xf32>
    %get3A_616 = arith.constant 32 : index
    %get3A_617 = tpu.vector_load %arg8[%get3A_616] {strides = array<i32>} : memref<128xf32, #tpu.memory_space<vmem>>, vector<16xf32>,
    %get3A_618 = vector.shape_cast %get3A_617 : vector<16xf32> to vector<16xf32>
    %mul3A_619 = arith.mulf %get3A_618, %gather3A_498 : vector<16xf32>
    %add3A_620 = arith.addf %add3A_610, %mul3A_619 : vector<16xf32>
    %get3A_621 = arith.constant 48 : index
    %get3A_622 = tpu.vector_load %arg8[%get3A_621] {strides = array<i32>} : memref<128xf32, #tpu.memory_space<vmem>>, vector<16xf32>,
    %get3A_623 = vector.shape_cast %get3A_622 : vector<16xf32> to vector<16xf32>
    %mul3A_624 = arith.mulf %get3A_623, %gather3A_498 : vector<16xf32>
    %add3A_625 = arith.addf %add3A_615, %mul3A_624 : vector<16xf32>
    %get3A_626 = arith.constant 64 : index
    %get3A_627 = tpu.vector_load %arg8[%get3A_626] {strides = array<i32>} : memref<128xf32, #tpu.memory_space<vmem>>, vector<16xf32>,
    %get3A_628 = vector.shape_cast %get3A_627 : vector<16xf32> to vector<16xf32>
    %mul3A_629 = arith.mulf %get3A_628, %gather3A_514 : vector<16xf32>
    %add3A_630 = arith.addf %add3A_620, %mul3A_629 : vector<16xf32>
    %get3A_631 = arith.constant 80 : index
    %get3A_632 = tpu.vector_load %arg8[%get3A_631] {strides = array<i32>} : memref<128xf32, #tpu.memory_space<vmem>>, vector<16xf32>,
    %get3A_633 = vector.shape_cast %get3A_632 : vector<16xf32> to vector<16xf32>
    %mul3A_634 = arith.mulf %get3A_633, %gather3A_514 : vector<16xf32>
    %add3A_635 = arith.addf %add3A_625, %mul3A_634 : vector<16xf32>
    %get3A_636 = arith.constant 96 : index
    %get3A_637 = tpu.vector_load %arg8[%get3A_636] {strides = array<i32>} : memref<128xf32, #tpu.memory_space<vmem>>, vector<16xf32>,
    %get3A_638 = vector.shape_cast %get3A_637 : vector<16xf32> to vector<16xf32>
    %mul3A_639 = arith.mulf %get3A_638, %gather3A_530 : vector<16xf32>
    %add3A_640 = arith.addf %add3A_630, %mul3A_639 : vector<16xf32>
    %get3A_641 = arith.constant 112 : index
    %get3A_642 = tpu.vector_load %arg8[%get3A_641] {strides = array<i32>} : memref<128xf32, #tpu.memory_space<vmem>>, vector<16xf32>,
    %get3A_643 = vector.shape_cast %get3A_642 : vector<16xf32> to vector<16xf32>
    %mul3A_644 = arith.mulf %get3A_643, %gather3A_530 : vector<16xf32>
    %add3A_645 = arith.addf %add3A_635, %mul3A_644 : vector<16xf32>
    %get3A_646 = arith.constant 0 : index
    %get3A_647 = tpu.vector_load %arg9[%get3A_646] {strides = array<i32>} : memref<128xf32, #tpu.memory_space<vmem>>, vector<16xf32>,
    %get3A_648 = vector.shape_cast %get3A_647 : vector<16xf32> to vector<16xf32>
    %mul3A_649 = arith.mulf %get3A_648, %gather3A_546 : vector<16xf32>
    %add3A_650 = arith.addf %add3A_640, %mul3A_649 : vector<16xf32>
    %get3A_651 = arith.constant 16 : index
    %get3A_652 = tpu.vector_load %arg9[%get3A_651] {strides = array<i32>} : memref<128xf32, #tpu.memory_space<vmem>>, vector<16xf32>,
    %get3A_653 = vector.shape_cast %get3A_652 : vector<16xf32> to vector<16xf32>
    %mul3A_654 = arith.mulf %get3A_653, %gather3A_546 : vector<16xf32>
    %add3A_655 = arith.addf %add3A_645, %mul3A_654 : vector<16xf32>
    %get3A_656 = arith.constant 32 : index
    %get3A_657 = tpu.vector_load %arg9[%get3A_656] {strides = array<i32>} : memref<128xf32, #tpu.memory_space<vmem>>, vector<16xf32>,
    %get3A_658 = vector.shape_cast %get3A_657 : vector<16xf32> to vector<16xf32>
    %mul3A_659 = arith.mulf %get3A_658, %gather3A_562 : vector<16xf32>
    %add3A_660 = arith.addf %add3A_650, %mul3A_659 : vector<16xf32>
    %get3A_661 = arith.constant 48 : index
    %get3A_662 = tpu.vector_load %arg9[%get3A_661] {strides = array<i32>} : memref<128xf32, #tpu.memory_space<vmem>>, vector<16xf32>,
    %get3A_663 = vector.shape_cast %get3A_662 : vector<16xf32> to vector<16xf32>
    %mul3A_664 = arith.mulf %get3A_663, %gather3A_562 : vector<16xf32>
    %add3A_665 = arith.addf %add3A_655, %mul3A_664 : vector<16xf32>
    %get3A_666 = arith.constant 64 : index
    %get3A_667 = tpu.vector_load %arg9[%get3A_666] {strides = array<i32>} : memref<128xf32, #tpu.memory_space<vmem>>, vector<16xf32>,
    %get3A_668 = vector.shape_cast %get3A_667 : vector<16xf32> to vector<16xf32>
    %mul3A_669 = arith.mulf %get3A_668, %gather3A_578 : vector<16xf32>
    %add3A_670 = arith.addf %add3A_660, %mul3A_669 : vector<16xf32>
    %get3A_671 = arith.constant 80 : index
    %get3A_672 = tpu.vector_load %arg9[%get3A_671] {strides = array<i32>} : memref<128xf32, #tpu.memory_space<vmem>>, vector<16xf32>,
    %get3A_673 = vector.shape_cast %get3A_672 : vector<16xf32> to vector<16xf32>
    %mul3A_674 = arith.mulf %get3A_673, %gather3A_578 : vector<16xf32>
    %add3A_675 = arith.addf %add3A_665, %mul3A_674 : vector<16xf32>
    %get3A_676 = arith.constant 96 : index
    %get3A_677 = tpu.vector_load %arg9[%get3A_676] {strides = array<i32>} : memref<128xf32, #tpu.memory_space<vmem>>, vector<16xf32>,
    %get3A_678 = vector.shape_cast %get3A_677 : vector<16xf32> to vector<16xf32>
    %mul3A_679 = arith.mulf %get3A_678, %gather3A_594 : vector<16xf32>
    %add3A_680 = arith.addf %add3A_670, %mul3A_679 : vector<16xf32>
    %get3A_681 = arith.constant 112 : index
    %get3A_682 = tpu.vector_load %arg9[%get3A_681] {strides = array<i32>} : memref<128xf32, #tpu.memory_space<vmem>>, vector<16xf32>,
    %get3A_683 = vector.shape_cast %get3A_682 : vector<16xf32> to vector<16xf32>
    %mul3A_684 = arith.mulf %get3A_683, %gather3A_594 : vector<16xf32>
    %add3A_685 = arith.addf %add3A_675, %mul3A_684 : vector<16xf32>
    %swap3A_686 = arith.constant 0 : index
    %swap3A_687 = tpu.vector_load %arg10[%swap3A_686] {strides = array<i32>} : memref<32xf32, #tpu.memory_space<vmem>>, vector<16xf32>,
    %swap3A_688 = vector.shape_cast %swap3A_687 : vector<16xf32> to vector<16xf32>
    %swap3A_689 = vector.shape_cast %add3A_680 : vector<16xf32> to vector<16xf32>
    tpu.vector_store %arg10[%swap3A_686], %swap3A_689 {strides = array<i32>} : memref<32xf32, #tpu.memory_space<vmem>>, vector<16xf32>,
    %swap3A_690 = arith.constant 16 : index
    %swap3A_691 = tpu.vector_load %arg10[%swap3A_690] {strides = array<i32>} : memref<32xf32, #tpu.memory_space<vmem>>, vector<16xf32>,
    %swap3A_692 = vector.shape_cast %swap3A_691 : vector<16xf32> to vector<16xf32>
    %swap3A_693 = vector.shape_cast %add3A_685 : vector<16xf32> to vector<16xf32>
    tpu.vector_store %arg10[%swap3A_690], %swap3A_693 {strides = array<i32>} : memref<32xf32, #tpu.memory_space<vmem>>, vector<16xf32>,
    "tpu.region"() ({
      %run_scoped3A = tpu.sem_alloc : memref<!tpu.dma_semaphore, #tpu.memory_space<semaphore_mem>>
      tpu.enqueue_dma source(%arg10 : memref<32xf32, #tpu.memory_space<vmem>>) target(%arg4 : memref<32xf32, #tpu.memory_space<hbm>>) target_semaphore(%run_scoped3A : memref<!tpu.dma_semaphore, #tpu.memory_space<semaphore_mem>>)
      tpu.wait_dma2 semaphore(%run_scoped3A : memref<!tpu.dma_semaphore, #tpu.memory_space<semaphore_mem>>) src(%arg10 : memref<32xf32, #tpu.memory_space<vmem>>) dst(%arg4 : memref<32xf32, #tpu.memory_space<hbm>>)
      tpu.yield
    }) : () -> ()
    return
  }
}

</mosaic_0001>

<sc_bundles>
// kernel: kernel.3.cloned.1.call-start
scs
__scs_entry_jumppad:
0x0: {  	(pc) =	sbr.rel $0x88, $3  }
0x1: {  	(tag) =	ssettag $0x0;
	lr =	simm.s32 $0x1  }
0x2: {  	[smem:$0x3F9F] =	sst lr;
	_ =	strace $0xD0000000  }
0x3: {  	_ = 	snop  }
0x4: {  	_ = 	snop  }
0x5: {  	_ = 	snop  }
0x6: {  	_ = 	snop  }
0x7: {  	_ = 	snop  }
__scs_overlays_trampoline_lowered:
0x8: {  	[smem:$0x3FAE] =	sst s0  }
0x9: {  	[smem:$0x3FAF] =	sst s1  }
0xa: {  	[smem:$0x3FB0] =	sst s2  }
0xb: {  	[smem:$0x3FB1] =	sst s3  }
0xc: {  	[smem:$0x3FB2] =	sst s4  }
0xd: {  	[smem:$0x3FB3] =	sst s5  }
0xe: {  	[smem:$0x3FB4] =	sst s6  }
0xf: {  	[smem:$0x3FB5] =	sst s7  }
0x10: {  	[smem:$0x3FB6] =	sst s8  }
0x11: {  	[smem:$0x3FB7] =	sst s9;
	s0 =	simm.s32 @!p0 $0x0  }
0x12: {  	s1 =	sld [smem:$0x3F9D];
	s0 =	simm.s32 @p0 $0x1  }
0x13: {  	[smem:$0x3FB8] =	sst s0;
	s0 =	simm.s32 @!p1 $0x0  }
0x14: {  	s2 =	sld [smem:$0x3F9C];
	s0 =	simm.s32 @p1 $0x1  }
0x15: {  	[smem:$0x3FB9] =	sst s0;
	s0 =	simm.s32 @!p2 $0x0  }
0x16: {  	s3 =	sld [smem:$0x3FDB];
	s0 =	simm.s32 @p2 $0x1  }
0x17: {  	s4 =	simm.s32 $0x1BF5;
	[smem:$0x3FBB] =	sst s0  }
0x18: {  	s0 =	sld [smem:$0x3F9E];
	_ =	swait.ge [sflag:s4], $0x0  }
0x19: {  	s7 =	sld [smem:$0x3F9F]  }
0x1a: {  	s8 =	sadd.s32 $0xFFFFE003, lr  }
0x1b: {  	s9 =	sadd.s32 $0xFFFFFEF7, lr;
	s5 =	simm.s32 $0xFFFFFFFF;
	p2 =	slt.u32 s8, $0xFFFFF086  }
0x1c: {  	p1 =	slt.u32 s9, $0xF7A;
	s5 =	simm.s32 @!p2 $0x0  }
0x1d: {  	s5 =	simm.s32 @p1 $0x1;
	p0 =	seq.s32 s7, s2  }
0x1e: {  	s7 =	smul.u32 @!p0 $0xF7A, s2;
	p2 =	seq.s32 @!p0 s5, $0x0  }
0x1f: {  	s9 =	smul.u32 $0xF7A, s1;
	s8 =	simm.s32 @!p0 $0x1BF5;
	p2 =	por !p2, p0  }
0x20: {  	[sflag:s8] =	ssyncset.s32 @!p0 $0xFFFFF086;
	s6 =	sadd.s32 @!p0 s3, s7;
	s7 =	simm.s32 @!p0 $0x108  }
0x21: {  	s3 =	sadd.s32 s3, s9;
	s6 =	sadd.s32 @!p0 $0x88, s6;
	s7 =	simm.s32 @p2 $0x1082  }
0x22: {  	[simem:s7], [sflag:s8] =	dma.local @!p0 [hbm:s6], $0xF7A  }
0x23: {  	s9 =	sor.u32 $0xD0000000, s2;
	s6 =	simm.s32 $0x108;
	_ =	swait.ge @!p0 [sflag:s8], $0x0  }
0x24: {  	s3 =	sadd.s32 $0x88, s3;
	s6 =	simm.s32 @!p1 $0x1082;
	[sflag:s4] =	ssyncset.s32 $0xFFFFF086  }
0x25: {  	[simem:s6], [sflag:s4] =	dma.local [hbm:s3], $0xF7A  }
0x26: {  	[smem:$0x3F9F] =	sst s1;
	(tag) =	ssettag s2;
	_ =	strace s9  }
0x27: {  	s1 =	sld [smem:$0x3FAF]  }
0x28: {  	s2 =	sld [smem:$0x3FB0]  }
0x29: {  	s4 =	sld [smem:$0x3FB2]  }
0x2a: {  	p0 =	seq.s32 s5, $0x0;
	s5 =	sld [smem:$0x3FB3]  }
0x2b: {  	s6 =	sld [smem:$0x3FB4]  }
0x2c: {  	s7 =	sld [smem:$0x3FB5]  }
0x2d: {  	s3 =	simm.s32 $0x108;
	s8 =	sld [smem:$0x3FB6]  }
0x2e: {  	s3 =	simm.s32 @!p0 $0x1082;
	s9 =	sld [smem:$0x3FB7]  }
0x2f: {  	lr =	sadd.s32 s0, s3;
	s0 =	sld [smem:$0x3FAE]  }
0x30: {  	s3 =	sld [smem:$0x3FB1]  }
0x31: {  	[smem:$0x3FBA] =	sst s10  }
0x32: {  	s10 =	sld [smem:$0x3FB8];
	_ =	sdelay $0x3  }
0x33: {  	p0 =	seq.s32 s10, $0x1;
	s10 =	sld [smem:$0x3FBA];
	_ =	sdelay $0x3  }
0x34: {  	[smem:$0x3FBA] =	sst s10  }
0x35: {  	s10 =	sld [smem:$0x3FB9];
	_ =	sdelay $0x3  }
0x36: {  	p1 =	seq.s32 s10, $0x1;
	s10 =	sld [smem:$0x3FBA];
	_ =	sdelay $0x3  }
0x37: {  	[smem:$0x3FBA] =	sst s10  }
0x38: {  	s10 =	sld [smem:$0x3FBB]  }
0x39: {  	_ = 	snop;
	(pc) =	sbr.ind lr, $3  }
0x3a: {  	_ = 	snop  }
0x3b: {  	_ = 	snop  }
0x3c: {  	p2 =	seq.s32 s10, $0x1;
	s10 =	sld [smem:$0x3FBA]  }
0x3d: {  	_ =	shalt  }
0x3e: {  	_ =	shalt  }
0x3f: {  	_ =	shalt  }
0x40: {  	_ =	shalt  }
0x41: {  	_ =	shalt  }
0x42: {  	_ =	shalt  }
0x43: {  	_ =	shalt  }
0x44: {  	_ =	shalt  }
0x45: {  	_ =	shalt  }
0x46: {  	_ =	shalt  }
0x47: {  	_ =	shalt  }
0x48: {  	_ =	shalt  }
0x49: {  	_ =	shalt  }
0x4a: {  	_ =	shalt  }
0x4b: {  	_ =	shalt  }
0x4c: {  	_ =	shalt  }
0x4d: {  	_ =	shalt  }
0x4e: {  	_ =	shalt  }
0x4f: {  	_ =	shalt  }
0x50: {  	_ =	shalt  }
0x51: {  	_ =	shalt  }
0x52: {  	_ =	shalt  }
0x53: {  	_ =	shalt  }
0x54: {  	_ =	shalt  }
0x55: {  	_ =	shalt  }
0x56: {  	_ =	shalt  }
0x57: {  	_ =	shalt  }
0x58: {  	_ =	shalt  }
0x59: {  	_ =	shalt  }
0x5a: {  	_ =	shalt  }
0x5b: {  	_ =	shalt  }
0x5c: {  	_ =	shalt  }
0x5d: {  	_ =	shalt  }
0x5e: {  	_ =	shalt  }
0x5f: {  	_ =	shalt  }
0x60: {  	_ =	shalt  }
0x61: {  	_ =	shalt  }
0x62: {  	_ =	shalt  }
0x63: {  	_ =	shalt  }
0x64: {  	_ =	shalt  }
0x65: {  	_ =	shalt  }
0x66: {  	_ =	shalt  }
0x67: {  	_ =	shalt  }
0x68: {  	_ =	shalt  }
0x69: {  	_ =	shalt  }
0x6a: {  	_ =	shalt  }
0x6b: {  	_ =	shalt  }
0x6c: {  	_ =	shalt  }
0x6d: {  	_ =	shalt  }
0x6e: {  	_ =	shalt  }
0x6f: {  	_ =	shalt  }
0x70: {  	_ =	shalt  }
0x71: {  	_ =	shalt  }
0x72: {  	_ =	shalt  }
0x73: {  	_ =	shalt  }
0x74: {  	_ =	shalt  }
0x75: {  	_ =	shalt  }
0x76: {  	_ =	shalt  }
0x77: {  	_ =	shalt  }
0x78: {  	_ =	shalt  }
0x79: {  	_ =	shalt  }
0x7a: {  	_ =	shalt  }
0x7b: {  	_ =	shalt  }
0x7c: {  	_ =	shalt  }
0x7d: {  	_ =	shalt  }
0x7e: {  	_ =	shalt  }
0x7f: {  	_ =	shalt  }
0x80: {  	_ =	shalt  }
0x81: {  	_ =	shalt  }
0x82: {  	_ =	shalt  }
0x83: {  	_ =	shalt  }
0x84: {  	_ =	shalt  }
0x85: {  	_ =	shalt  }
0x86: {  	_ =	shalt  }
0x87: {  	_ =	shalt  }
.Lfunc_end0:
.L_simem_size_0:
called_computation_lowered:
.L_overlay_start_0:
0x88: {  	s0 =	sld [smem:$0x3FD9]  }
0x89: {  	s1 =	sld [smem:$0x3FFE];
	_ =	sdelay $0x3  }
0x8a: {  	s0 =	sadd.s32 s1, s0  }
0x8b: {  	[smem:$0x3FC6] =	sst s0  }
0x8c: {  	_ = 	snop  }
0x8d: {  	s0 =	sld [smem:$0x3FC9]  }
0x8e: {  	s17 =	sld [smem:$0x3FC8]  }
0x8f: {  	s2 =	sld [smem:$0x3FD0];
	(tm) =	ssettm $0x1  }
0x90: {  	s3 =	sld [smem:$0x3FFB];
	_ =	sdelay $0x3  }
0x91: {  	_ =	strace s3  }
0x92: {  	s3 =	sld [smem:$0x3FFC];
	_ =	sdelay $0x3  }
0x93: {  	_ =	strace s3  }
0x94: {  	s3 =	sld [smem:$0x3FFD];
	_ =	sdelay $0x3  }
0x95: {  	_ =	strace s3  }
0x96: {  	_ =	strace $0x8FFFFFFF  }
0x97: {  	s18 =	sld [smem:$0x3FDB];
	_ =	sdelay $0x1  }
0x98: {  	s4 =	simm.s32 $_scs_section_size  }
0x99: {  	s5 =	simm.s32 $_size__tile_overlayer_lowered;
	s6 =	simm.s32 $_tile_overlayer_lowered  }
0x9a: {  	s21 =	simm.s32 $0x1BFF;
	s20 =	sshll.u32 s6, $0x1;
	s3 =	sadd.s32 s4, s18  }
0x9b: {  	s7 =	simm.s32 $0x0;
	s19 =	sshll.u32 s5, $0x1;
	s5 =	sadd.s32 s20, s3  }
0x9c: {  	[timem:s7], [sflag:s21] =	dma.local [hbm:s5], s19  }
0x9d: {  	_ =	swait.ge [sflag:s21], s19  }
0x9e: {  	s4 =	ssub.s32 $0x0, s19;
	[sflag:s21] =	ssyncset.done $0x0  }
0x9f: {  	[sflag:s21] =	ssyncadd.s32 s4;
	_ =	sdelay $0x1  }
0xa0: {  	s22 =	simm.s32 $0x1B8B  }
0xa1: {  	_ =	swait.ge [sflag:s22], $0x1  }
0xa2: {  	[sflag:s22] =	ssyncset.done $0x0  }
0xa3: {  	s23 =	simm.s32 $0x1B8E;
	[sflag:s22] =	ssyncadd.s32 $0xFFFFFFFF  }
0xa4: {  	s24 =	simm.s32 $execute0_lowered;
	[smem:$0x3FD2] =	sst s23  }
0xa5: {  	s4 =	sshll.u32 s24, $0x1;
	_ =	strace $0x80000046;
	[dreg:$0x1] =	wrdreg $0xFFFFFFFF  }
0xa6: {  	s25 =	simm.s32 $_size_execute0_lowered;
	s3 =	sadd.s32 s3, s4;
	[dreg:$0x0] =	wrdreg $0x0  }
0xa7: {  	s4 =	sshll.u32 s25, $0x1;
	[dreg:$0x2] =	wrdreg s3  }
0xa8: {  	[dreg:$0x3] =	wrdreg s4  }
0xa9: {  	[dreg:$0x4] =	wrdreg $0xC0  }
0xaa: {  	_ =	task [dreg:s7], $0x5FFFF  }
0xab: {  	[dreg:$0x1] =	wrdreg $0xFFFFFFFF  }
0xac: {  	[dreg:$0x0] =	wrdreg $0x60  }
0xad: {  	[dreg:$0x2] =	wrdreg s0  }
0xae: {  	[dreg:$0x3] =	wrdreg s17  }
0xaf: {  	[dreg:$0x4] =	wrdreg s2  }
0xb0: {  	[dreg:$0x5] =	wrdreg $0x9  }
0xb1: {  	_ =	task.clear_ibuf [dreg:s7], $0x6FFFF;
	_ =	strace $0x90000046  }
0xb2: {  	s26 =	simm.s32 $0x9;
	_ =	strace $0x80000048  }
0xb3: {  	_ =	swait.ge [sflag:s26], $0x1  }
0xb4: {  	[sflag:s26] =	ssyncadd.s32 $0xFFFFFFFF  }
0xb5: {  	_ =	strace $0x90000048  }
0xb6: {  	_ =	sfence  }
0xb7: {  	s28 =	sld [smem:$0x0];
	_ =	sdelay $0x1  }
0xb8: {  	s29 =	srdreg.scid  }
0xb9: {  	s30 =	sshll.u32 s29, $0xD;
	s31 =	sshrl.u32 s29, $0x2  }
0xba: {  	s1 =	sand.u32 $0x1, s29;
	s2 =	sand.u32 $0x4000, s30;
	s0 =	sadd.s32 s31, s28  }
0xbb: {  	s1 =	sor.u32 s2, s1;
	s0 =	sshll.u32 s0, $0x11  }
0xbc: {  	s0 =	sor.u32 s0, s1  }
0xbd: {  	s0 =	sadd.s32 $0x8F2B, s0  }
0xbe: {  	[sflag:s0] =	ssyncadd.remote.s32 $0x1  }
0xbf: {  	_ =	sfence.sel $0xFFFF  }
0xc0: {  	[dreg:$0x0] =	wrdreg $0xFFFFFFFF;
	(pc) =	sbr.abs _section_cstart, $3  }
0xc1: {  	[dreg:$0x1] =	wrdreg $0xFFFFFFFF  }
0xc2: {  	_ =	task.clear_ibuf [dreg:s7], $0x2FFFF;
	_ =	strace $0x9FFFFFFF  }
0xc3: {  	(tm) =	ssettm $0x7FFFFFFF  }
tec
execute0_lowered:
.L_overlay_start_1:
0x0: {  	(tag) =	ssettag $0x1  }
0x1: {  	s3 =	stileid.u32  }
0x2: {  	p0 =	sne.s32 s3, $0x0  }
.Ltmp0:
0x3: {  	_ = 	snop;
	(pc) =	sbr.rel @p0 .LBB2_2-.Ltmp0, $4  }
0x4: {  	s4 =	rddreg [dreg:$0x0]  }
0x5: {  	s2 =	rddreg [dreg:$0x1]  }
0x6: {  	s1 =	rddreg [dreg:$0x2]  }
0x7: {  	s0 =	rddreg [dreg:$0x3];
	_ =	strace $0x80000047  }
0x8: {  	s3 =	simm.s32 $0x0;
	s28 =	simm.s32 $0x2  }
0x9: {  	[tilespmem:s3], [sflag:$0x2] =	stream.linear.gather [hbm4b:s2+s3], $0x3, $0x38;
	[tilespmem:$0x300] =	vst v63  }
0xa: {  	_ =	swait.ge [sflag:s28], $0x3  }
0xb: {  	[sflag:s28] =	ssyncset.done $0x0  }
0xc: {  	[sflag:s28] =	ssyncadd.s32 $0xFFFFFFFD  }
0xd: {  	v0 =	vld [tilespmem:$0x0];
	_ =	sdelay $0x4  }
0xe: {  	v1 =	vimm.f32 $3.150000000e+01;
	vm0 =	vcmask $0x700;
	v0 =	vadd.f32 $1.000000000e+00, v0  }
0xf: {  	v1 =	vsel vm0, $0x427E0000, v1  }
0x10: {  	v0 =	vmul.f32 v1, v0  }
0x11: {  	v57 =	vimm.f32 $6.500000000e+01  }
0x12: {  	vm1 =	vcmask $0x300;
	v1 =	vsel vm0, $0x43010000, v57;
	v0 =	vmax.f32 v0, $-2.000000000e+00  }
0x13: {  	v4 =	vimm.f32 $1.000000000e+00;
	vm9 =	vcmask $0xB08;
	v3 =	vmin.f32 v0, v1  }
0x14: {  	vm10 =	vcmask $0x1310;
	v60 =	vimm.s32 $0x0;
	v0 =	vtrunc.f32 v3  }
0x15: {  	vm11 =	vcmask $0x1B18;
	v61 =	vimm.s32 $0x1;
	v0 =	vcvt.f32.s32 v0  }
0x16: {  	vm12 =	vcmask $0x2320;
	v62 =	vimm.s32 $0x2;
	vm13 =	vcmask $0x2B28  }
0x17: {  	vm14 =	vcmask $0x3330;
	vm15 =	vcmask $0x3B38;
	v0 =	vcvt.s32.f32 v0  }
0x18: {  	vm4 =	vcmask $0x1710;
	vm5 =	vcmask $0x2720;
	vm6 =	vcmask $0x3730  }
0x19: {  	vm7 =	vcmask $0xF00;
	v2 =	vsel vm1, $0x0, v4;
	v58 =	vadd.f32 $-1.000000000e+00, v0  }
0x1a: {  	vm8 =	vcmask $0x2F20;
	v59 =	vsel vm9, $0x0, v2;
	vm2 =	vlt.f32 v3, v0  }
0x1b: {  	v9 =	vsel vm0, $0x0, v4;
	v5 =	vsel vm2, v58, v0;
	v0 =	vsel vm10, $0x0, v59  }
0x1c: {  	v4 =	vsel vm7, $0x0, v4;
	v9 =	vsel vm4, $0x0, v9;
	v6 =	vsel vm11, $0x0, v0  }
0x1d: {  	v9 =	vsel vm5, $0x0, v9;
	v7 =	vperm.xlane v5, v60;
	v6 =	vsel vm12, $0x0, v6  }
0x1e: {  	v8 =	vperm.xlane v5, v61;
	v5 =	vperm.xlane v5, v62;
	v6 =	vsel vm13, $0x0, v6  }
0x1f: {  	v4 =	vsel vm8, $0x0, v4;
	v9 =	vsel vm6, $0x0, v9;
	v6 =	vsel vm14, $0x0, v6  }
0x20: {  	v63 =	vadd.f32 v9, v8;
	v4 =	vadd.f32 v4, v5;
	v6 =	vsel vm15, $0x0, v6  }
0x21: {  	v6 =	vadd.f32 v6, v7  }
0x22: {  	v8 =	vmax.f32 v63, $0.0e+00;
	v14 =	vmax.f32 v4, $0.0e+00  }
0x23: {  	v8 =	vmin.f32 v8, $1.270000000e+02;
	v9 =	vmin.f32 v14, $6.300000000e+01;
	v13 =	vmax.f32 v6, $0.0e+00  }
0x24: {  	v8 =	vtrunc.f32 v8;
	v9 =	vtrunc.f32 v9;
	v5 =	vmin.f32 v13, $1.270000000e+02  }
0x25: {  	v8 =	vcvt.f32.s32 v8;
	v5 =	vtrunc.f32 v5  }
0x26: {  	v9 =	vcvt.f32.s32 v9;
	v5 =	vcvt.f32.s32 v5  }
0x27: {  	v8 =	vshll.u32 v8, $0x7  }
0x28: {  	v9 =	vshll.u32 v9, $0xE;
	v5 =	vadd.s32 v5, v8  }
0x29: {  	v15 =	vlaneseq.u32;
	v5 =	vadd.s32 v9, v5  }
0x2a: {  	v10 =	vimm.s32 $0x4;
	v8 =	vmul.u32 $0x100000, v15;
	v9 =	vperm.xlane v5, v60  }
0x2b: {  	v11 =	vperm.xlane v5, v10  }
0x2c: {  	v12 =	vadd.s32 v8, v9  }
0x2d: {  	v13 =	vor.u32 $0x1000000, v8;
	v16 =	vadd.s32 v8, v11;
	[tilespmem:$0x80] =	vst v12  }
0x2e: {  	v14 =	vimm.s32 $0x5;
	v17 =	vperm.xlane v5, v61;
	v9 =	vadd.s32 v13, v9;
	[tilespmem:$0x100] =	vst v16  }
0x2f: {  	v19 =	vperm.xlane v5, v14;
	v18 =	vadd.s32 v13, v11;
	[tilespmem:$0x90] =	vst v9  }
0x30: {  	v20 =	vadd.s32 v8, v17;
	[tilespmem:$0x110] =	vst v18  }
0x31: {  	v21 =	vadd.s32 v8, v19;
	[tilespmem:$0xA0] =	vst v20  }
0x32: {  	v15 =	vimm.s32 $0x6;
	v23 =	vperm.xlane v5, v62;
	v22 =	vadd.s32 v13, v17;
	[tilespmem:$0x120] =	vst v21  }
0x33: {  	v25 =	vperm.xlane v5, v15;
	v24 =	vadd.s32 v13, v19;
	[tilespmem:$0xB0] =	vst v22  }
0x34: {  	v26 =	vadd.s32 v8, v23;
	[tilespmem:$0x130] =	vst v24  }
0x35: {  	v27 =	vadd.s32 v8, v25;
	[tilespmem:$0xC0] =	vst v26;
	v16 =	vimm.s32 $0x3  }
0x36: {  	v17 =	vimm.s32 $0x7;
	v28 =	vadd.s32 v13, v23;
	[tilespmem:$0x140] =	vst v27;
	v29 =	vperm.xlane v5, v16  }
0x37: {  	v30 =	vadd.s32 v13, v25;
	[tilespmem:$0xD0] =	vst v28;
	v5 =	vperm.xlane v5, v17  }
0x38: {  	[tilespmem:$0x150] =	vst v30;
	v31 =	vadd.s32 v8, v29  }
0x39: {  	v8 =	vadd.s32 v8, v5;
	[tilespmem:$0xE0] =	vst v31  }
0x3a: {  	v32 =	vadd.s32 v13, v29;
	[tilespmem:$0x160] =	vst v8  }
0x3b: {  	v33 =	vperm.xlane v3, v60;
	v5 =	vadd.s32 v13, v5;
	[tilespmem:$0xF0] =	vst v32  }
0x3c: {  	s5 =	simm.s32 $0x80;
	s6 =	simm.s32 $0x180;
	v34 =	vperm.xlane v3, v61;
	v3 =	vperm.xlane v3, v62;
	[tilespmem:$0x170] =	vst v5  }
0x3d: {  	[tilespmem:s6], [sflag:$0x1] =	stream.indirect.gather [hbm4b:s4+s5], $0x1, s5, s5, $0xb8;
	[tilespmem:$0x300] =	vst v63  }
0x3e: {  	s29 =	simm.s32 $0x100;
	s7 =	simm.s32 $0x200;
	s30 =	simm.s32 $0x1;
	v3 =	vsub.f32 v3, v4  }
0x3f: {  	v8 =	vsub.f32 v33, v6;
	v5 =	vsub.f32 v34, v63;
	[tilespmem:s7], [sflag:$0x1] =	stream.indirect.gather [hbm4b:s4+s5], $0x1, s29, s5, $0xb8;
	[tilespmem:$0x300] =	vst v63  }
0x40: {  	vm10 =	vge.f32 v63, $0.0e+00;
	vm12 =	vle.f32 v63, $1.270000000e+02;
	vm9 =	vge.f32 v6, $0.0e+00;
	_ =	swait.ge [sflag:s30], $0x80  }
0x41: {  	vm11 =	vle.f32 v6, $1.270000000e+02;
	v8 =	vand.u32 $0x7FFFFFFF, v8;
	v5 =	vand.u32 $0x7FFFFFFF, v5;
	[sflag:s30] =	ssyncset.done $0x0  }
0x42: {  	vm0 =	vmand vm9, vm10;
	v8 =	vsub.f32 $1.000000000e+00, v8;
	v5 =	vsub.f32 $1.000000000e+00, v5;
	[sflag:s30] =	ssyncadd.s32 $0xFFFFFF80  }
0x43: {  	vm13 =	vge.f32 v4, $0.0e+00;
	v3 =	vand.u32 $0x7FFFFFFF, v3;
	vm0 =	vmand vm0, vm11;
	_ =	swait.ge [sflag:s30], $0x80  }
0x44: {  	v3 =	vsub.f32 $1.000000000e+00, v3;
	vm0 =	vmand vm12, vm0;
	v5 =	vmul.f32 v5, v8;
	[sflag:s30] =	ssyncset.done $0x0  }
0x45: {  	vm14 =	vle.f32 v4, $6.300000000e+01;
	vm0 =	vmand vm13, vm0;
	[sflag:s30] =	ssyncadd.s32 $0xFFFFFF80  }
0x46: {  	vm15 =	vmmov $0xff;
	vm0 =	vmand vm14, vm0;
	v3 =	vmul.f32 v3, v5;
	v35 =	vld [tilespmem:$0x180]  }
0x47: {  	vm0 =	vmand vm0, vm15;
	v36 =	vld [tilespmem:$0x190]  }
0x48: {  	v3 =	vnsel vm0, $0x0, v3;
	v37 =	vld [tilespmem:$0x1A0]  }
0x49: {  	v1 =	vperm.xlane v3, v60;
	v38 =	vld [tilespmem:$0x1B0]  }
0x4a: {  	v39 =	vld [tilespmem:$0x1C0]  }
0x4b: {  	v2 =	vperm.xlane v3, v61;
	v40 =	vld [tilespmem:$0x1D0];
	v4 =	vmul.f32 v35, v1  }
0x4c: {  	v41 =	vld [tilespmem:$0x1E0];
	v1 =	vmul.f32 v36, v1  }
0x4d: {  	v0 =	vperm.xlane v3, v62;
	v42 =	vld [tilespmem:$0x1F0];
	v6 =	vmul.f32 v37, v2;
	v4 =	vadd.f32 $0.0e+00, v4  }
0x4e: {  	v43 =	vld [tilespmem:$0x200];
	v2 =	vmul.f32 v38, v2;
	v1 =	vadd.f32 $0.0e+00, v1  }
0x4f: {  	v44 =	vperm.xlane v3, v16;
	v46 =	vld [tilespmem:$0x210];
	v45 =	vmul.f32 v39, v0;
	v4 =	vadd.f32 v6, v4  }
0x50: {  	v47 =	vld [tilespmem:$0x220];
	v0 =	vmul.f32 v40, v0;
	v1 =	vadd.f32 v2, v1  }
0x51: {  	v48 =	vperm.xlane v3, v10;
	v49 =	vld [tilespmem:$0x230];
	v5 =	vmul.f32 v41, v44;
	v4 =	vadd.f32 v45, v4  }
0x52: {  	v51 =	vld [tilespmem:$0x240];
	v50 =	vmul.f32 v42, v44;
	v0 =	vadd.f32 v0, v1  }
0x53: {  	v52 =	vperm.xlane v3, v14;
	v54 =	vld [tilespmem:$0x250];
	v53 =	vmul.f32 v43, v48;
	v4 =	vadd.f32 v5, v4  }
0x54: {  	v56 =	vld [tilespmem:$0x260];
	v55 =	vmul.f32 v46, v48;
	v0 =	vadd.f32 v50, v0  }
0x55: {  	v57 =	vperm.xlane v3, v15;
	v58 =	vld [tilespmem:$0x270];
	v2 =	vmul.f32 v47, v52;
	v4 =	vadd.f32 v53, v4  }
0x56: {  	v59 =	vmul.f32 v49, v52;
	v0 =	vadd.f32 v55, v0  }
0x57: {  	v3 =	vperm.xlane v3, v17;
	v60 =	vmul.f32 v51, v57;
	v2 =	vadd.f32 v2, v4  }
0x58: {  	v61 =	vmul.f32 v54, v57;
	v0 =	vadd.f32 v59, v0  }
0x59: {  	v62 =	vmul.f32 v56, v3;
	v2 =	vadd.f32 v60, v2  }
0x5a: {  	v63 =	vmul.f32 v58, v3;
	v0 =	vadd.f32 v61, v0  }
0x5b: {  	v2 =	vadd.f32 v62, v2  }
0x5c: {  	v0 =	vadd.f32 v63, v0  }
0x5d: {  	[tilespmem:$0x280] =	vst v2  }
0x5e: {  	s31 =	simm.s32 $0x280;
	[tilespmem:$0x290] =	vst v0  }
0x5f: {  	[hbm4b:s1+s3] =	stream.linear.scatter [tilespmem:s31], [sflag:$0x2], $0x80, $0x38;
	[tilespmem:$0x300] =	vst v63  }
0x60: {  	_ =	swait.ge [sflag:s28], $0x80  }
0x61: {  	[sflag:s28] =	ssyncset.done $0x0  }
0x62: {  	[sflag:s28] =	ssyncadd.s32 $0xFFFFFF80  }
.LBB2_2:
0x63: {  	_ =	sfence.sel $0x180000  }
0x64: {  	[bflag:$0x0] =	sbarrier.arrive $0xFFFF  }
0x65: {  	_ =	strace $0x90000047  }
0x66: {  	s0 =	sadd.s32 @!p0 $0x100000, s0;
	[bflag:$0x2] =	sbarrier.arrive $0xFFFF  }
0x67: {  	[sflag:s0] =	ssyncadd.tile.s32 @!p0 $0x1;
	_ =	shalt  }
.Lfunc_end2:
_tile_overlayer_lowered:
.L_overlay_start_2:
0x68: {  	(tag) =	ssettag $0x2  }
0x69: {  	s0 =	rddreg [dreg:$0x0];
	s2 =	stileid.u32  }
0x6a: {  	s1 =	rddreg [dreg:$0x1];
	p0 =	sne.s32 s2, $0x0  }
0x6b: {  	s3 =	rddreg [dreg:$0x2];
	[bflag:$0x3] =	sbarrier.arrive $0xFFFF;
	s2 =	simm.s32 @!p0 $0x1C02  }
0x6c: {  	[timem:s3], [sflag:s2] =	dma.local @!p0 [hbm:s0], s1  }
0x6d: {  	s0 =	simm.s32 @!p0 $0x2  }
0x6e: {  	_ =	swait.ge @!p0 [sflag:s0], s1  }
0x6f: {  	s1 =	ssub.s32 @!p0 $0x0, s1;
	[sflag:s0] =	ssyncset.done @!p0 $0x0  }
0x70: {  	[sflag:s0] =	ssyncadd.s32 @!p0 s1  }
0x71: {  	[bflag:$0x3] =	sbarrier.arrive $0xFFFF  }
0x72: {  	_ =	shalt  }

</sc_bundles>
